<compile_context>
chip_gen: v7x
topology: tpu7x:2x2x1
jax: 0.10.2.dev20260603
libtpu: 0.0.44.dev20260713+nightly
codegen_flags: <defaults>
</compile_context>

<pallas_src>
import functools

import jax
import jax.numpy as jnp
from jax import lax
from jax.experimental import pallas as pl
from jax.experimental.pallas import tpu as pltpu
from jax.experimental.pallas import tpu_sc as plsc

_NUM_SEGMENTS = 512
_SEG_SIZE = 256
_P_LEN = _NUM_SEGMENTS * _SEG_SIZE

_INFO = plsc.get_sparse_core_info()
_NS = _INFO.num_subcores
_L = _INFO.num_lanes
_NCU = 1
_NW = _NCU * _NS
_SEG_PER_W = _NUM_SEGMENTS // _NW
_CHUNK = _SEG_PER_W * _SEG_SIZE
_VPS = _SEG_SIZE // _L
_GROUPS = 8
_SEG_PER_G = _SEG_PER_W // _GROUPS
_GSIZE = _SEG_PER_G * _SEG_SIZE


@functools.partial(
    pl.kernel,
    mesh=plsc.VectorSubcoreMesh(core_axis_name="c", subcore_axis_name="s",
                                num_cores=_NCU),
    out_type=jax.ShapeDtypeStruct((_P_LEN,), jnp.float32),
    scratch_types=[
        pltpu.VMEM((_CHUNK,), jnp.float32),
        pltpu.VMEM((_SEG_PER_W * _L,), jnp.float32),
    ],
)
def _sc_segment_softmax(p_hbm, out_hbm, x_v, inv_v):
    wid = lax.axis_index("s") * _NCU + lax.axis_index("c")
    base = wid * _CHUNK
    pltpu.sync_copy(p_hbm.at[pl.ds(base, _CHUNK)], x_v)
    lane = lax.iota(jnp.int32, _L)

    def _butterfly(v, op):
        for step in (1, 2, 4, 8):
            v = op(v, v.at[lane ^ step].get(mode="promise_in_bounds",
                                            unique_indices=True))
        return v

    def _expsum(s, carry):
        off = s * _SEG_SIZE
        x = [x_v[pl.ds(off + j * _L, _L)] for j in range(_VPS)]
        m = x[0]
        for j in range(1, _VPS):
            m = jnp.maximum(m, x[j])
        seg_max = _butterfly(m, jnp.maximum)
        acc = None
        for j in range(_VPS):
            e = jnp.exp(x[j] - seg_max)
            x_v[pl.ds(off + j * _L, _L)] = e
            acc = e if acc is None else acc + e
        inv_v[pl.ds(s * _L, _L)] = 1.0 / _butterfly(acc, jnp.add)
        return carry

    def _norm(s, carry):
        off = s * _SEG_SIZE
        inv_sum = inv_v[pl.ds(s * _L, _L)]
        for j in range(_VPS):
            sl = pl.ds(off + j * _L, _L)
            x_v[sl] = x_v[sl] * inv_sum
        return carry

    lax.fori_loop(0, _SEG_PER_W, _expsum, 0, unroll=2)
    lax.fori_loop(0, _SEG_PER_W, _norm, 0, unroll=4)
    pltpu.sync_copy(x_v, out_hbm.at[pl.ds(base, _CHUNK)])


def kernel(p, p_full_index, t):
    del p_full_index
    del t
    out = _sc_segment_softmax(p)
    return (out, out)

# --- scband reference (transcript-rebuilt; emitter-appended) ---
"""Pipeline reference for scband-net-76544907149347 (READ-ONLY COPY).

The authoritative reference and input builder live on the scoring server;
editing this copy changes nothing except your own understanding.
"""

import jax, jax.numpy as jnp
import numpy as np

NUM_SEGMENTS = 512
SEG_SIZE = 256
P_LEN = NUM_SEGMENTS * SEG_SIZE  # 131072
P_INDEX = np.arange(0, P_LEN + 1, SEG_SIZE, dtype=np.int64)


def setup_inputs(seed: int = 0) -> dict:
    key = jax.random.key(seed)
    seg_sizes = P_INDEX[1:] - P_INDEX[:-1]
    # torch init: p = cat([log(rand(size)) * size for each segment])
    u = jax.random.uniform(key, (P_LEN,), dtype=jnp.float32, minval=1e-7, maxval=1.0)
    size_per_elem = jnp.asarray(np.repeat(seg_sizes, seg_sizes).astype(np.float32))
    p = jnp.log(u) * size_per_elem
    p_full_index = jnp.asarray(np.repeat(np.arange(NUM_SEGMENTS, dtype=np.int32), seg_sizes))
    return {"p": p, "p_full_index": p_full_index, "t": 1}


def _scatter_softmax(src, index, num_segments):
    seg_max = jax.ops.segment_max(src, index, num_segments=num_segments)
    centered = src - seg_max[index]
    e = jnp.exp(centered)
    seg_sum = jax.ops.segment_sum(e, index, num_segments=num_segments)
    return e / seg_sum[index]


def reference(p, p_full_index, t):
    # use_gumble=False, tree_p_index=None path
    new_logits = p / jnp.float32(t)
    shifted = new_logits - jnp.max(new_logits)
    out = _scatter_softmax(shifted, p_full_index, NUM_SEGMENTS)
    candidate_p = jnp.array(out)  # torch.clone
    return (out, candidate_p)

if __name__ == "__main__":
    import jax
    _d = setup_inputs()
    print(jax.jit(kernel)(*tuple(_d.values())))

</pallas_src>

<mosaic_0001>
#map = affine_map<(d0, d1) -> (0)>
module attributes {stable_mosaic.version = 14 : i64} {
  func.func @_sc_segment_softmax(%arg0: i32, %arg1: i32, %arg2: memref<131072xf32, #tpu.memory_space<hbm>>, %arg3: memref<131072xf32, #tpu.memory_space<hbm>>, %arg4: memref<8192xf32, #tpu.memory_space<vmem>>, %arg5: memref<512xf32, #tpu.memory_space<vmem>>) attributes {dimension_semantics = [#tpu.dimension_semantics<core_parallel>, #tpu.dimension_semantics<subcore_parallel>], iteration_bounds = array<i64: 1, 16>, scalar_prefetch = 0 : i64, scratch_operands = 2 : i64, tpu.core_type = #tpu.core_type<sc_vector_subcore>, window_params = [{transform_indices = #map}, {transform_indices = #map}]} {
    %mul3A = arith.constant 1 : i32
    %mul3A_0 = arith.muli %arg1, %mul3A : i32
    %add3A = arith.addi %mul3A_0, %arg0 : i32
    %mul3A_1 = arith.constant 8192 : i32
    %mul3A_2 = arith.muli %add3A, %mul3A_1 : i32
    "tpu.region"() ({
      %run_scoped3A = tpu.sem_alloc : memref<!tpu.dma_semaphore, #tpu.memory_space<semaphore_mem>>
      %dma_start3A = tpu.memref_slice %arg2[%mul3A_2] : memref<131072xf32, #tpu.memory_space<hbm>> -> memref<8192xf32, #tpu.memory_space<hbm>>
      %dma_start3A_14 = tpu.memref_slice %arg2[%mul3A_2] : memref<131072xf32, #tpu.memory_space<hbm>> -> memref<8192xf32, #tpu.memory_space<hbm>>
      tpu.enqueue_dma source(%dma_start3A_14 : memref<8192xf32, #tpu.memory_space<hbm>>) target(%arg4 : memref<8192xf32, #tpu.memory_space<vmem>>) target_semaphore(%run_scoped3A : memref<!tpu.dma_semaphore, #tpu.memory_space<semaphore_mem>>)
      %dma_wait3A = tpu.memref_slice %arg2[%mul3A_2] : memref<131072xf32, #tpu.memory_space<hbm>> -> memref<8192xf32, #tpu.memory_space<hbm>>
      %dma_wait3A_15 = tpu.memref_slice %arg2[%mul3A_2] : memref<131072xf32, #tpu.memory_space<hbm>> -> memref<8192xf32, #tpu.memory_space<hbm>>
      tpu.wait_dma2 semaphore(%run_scoped3A : memref<!tpu.dma_semaphore, #tpu.memory_space<semaphore_mem>>) src(%dma_wait3A_15 : memref<8192xf32, #tpu.memory_space<hbm>>) dst(%arg4 : memref<8192xf32, #tpu.memory_space<vmem>>)
      tpu.yield
    }) : () -> ()
    %iota3A = tpu.iota {dimensions = array<i32: 0>} : vector<16xi32>
    %scan3A = arith.constant 0 : i32
    %scan3A_3 = arith.constant 0 : i32
    %scan3A_4 = arith.constant 32 : i32
    %scan3A_5 = arith.addi %scan3A_3, %scan3A_4 : i32
    %scan3A_6 = arith.constant 2 : i32
    scf.for %scan3A_14 = %scan3A_3 to %scan3A_5 step %scan3A_6  : i32 {
      %mul3A_15 = arith.constant 256 : i32
      %mul3A_16 = arith.muli %scan3A_14, %mul3A_15 : i32
      %add3A_17 = arith.constant 0 : i32
      %add3A_18 = arith.addi %mul3A_16, %add3A_17 : i32
      %get3A = arith.index_cast %add3A_18 : i32 to index
      %get3A_19 = tpu.vector_load %arg4[%get3A] {strides = array<i32>} : memref<8192xf32, #tpu.memory_space<vmem>>, vector<16xf32>,
      %get3A_20 = vector.shape_cast %get3A_19 : vector<16xf32> to vector<16xf32>
      %add3A_21 = arith.constant 16 : i32
      %add3A_22 = arith.addi %mul3A_16, %add3A_21 : i32
      %get3A_23 = arith.index_cast %add3A_22 : i32 to index
      %get3A_24 = tpu.vector_load %arg4[%get3A_23] {strides = array<i32>} : memref<8192xf32, #tpu.memory_space<vmem>>, vector<16xf32>,
      %get3A_25 = vector.shape_cast %get3A_24 : vector<16xf32> to vector<16xf32>
      %add3A_26 = arith.constant 32 : i32
      %add3A_27 = arith.addi %mul3A_16, %add3A_26 : i32
      %get3A_28 = arith.index_cast %add3A_27 : i32 to index
      %get3A_29 = tpu.vector_load %arg4[%get3A_28] {strides = array<i32>} : memref<8192xf32, #tpu.memory_space<vmem>>, vector<16xf32>,
      %get3A_30 = vector.shape_cast %get3A_29 : vector<16xf32> to vector<16xf32>
      %add3A_31 = arith.constant 48 : i32
      %add3A_32 = arith.addi %mul3A_16, %add3A_31 : i32
      %get3A_33 = arith.index_cast %add3A_32 : i32 to index
      %get3A_34 = tpu.vector_load %arg4[%get3A_33] {strides = array<i32>} : memref<8192xf32, #tpu.memory_space<vmem>>, vector<16xf32>,
      %get3A_35 = vector.shape_cast %get3A_34 : vector<16xf32> to vector<16xf32>
      %add3A_36 = arith.constant 64 : i32
      %add3A_37 = arith.addi %mul3A_16, %add3A_36 : i32
      %get3A_38 = arith.index_cast %add3A_37 : i32 to index
      %get3A_39 = tpu.vector_load %arg4[%get3A_38] {strides = array<i32>} : memref<8192xf32, #tpu.memory_space<vmem>>, vector<16xf32>,
      %get3A_40 = vector.shape_cast %get3A_39 : vector<16xf32> to vector<16xf32>
      %add3A_41 = arith.constant 80 : i32
      %add3A_42 = arith.addi %mul3A_16, %add3A_41 : i32
      %get3A_43 = arith.index_cast %add3A_42 : i32 to index
      %get3A_44 = tpu.vector_load %arg4[%get3A_43] {strides = array<i32>} : memref<8192xf32, #tpu.memory_space<vmem>>, vector<16xf32>,
      %get3A_45 = vector.shape_cast %get3A_44 : vector<16xf32> to vector<16xf32>
      %add3A_46 = arith.constant 96 : i32
      %add3A_47 = arith.addi %mul3A_16, %add3A_46 : i32
      %get3A_48 = arith.index_cast %add3A_47 : i32 to index
      %get3A_49 = tpu.vector_load %arg4[%get3A_48] {strides = array<i32>} : memref<8192xf32, #tpu.memory_space<vmem>>, vector<16xf32>,
      %get3A_50 = vector.shape_cast %get3A_49 : vector<16xf32> to vector<16xf32>
      %add3A_51 = arith.constant 112 : i32
      %add3A_52 = arith.addi %mul3A_16, %add3A_51 : i32
      %get3A_53 = arith.index_cast %add3A_52 : i32 to index
      %get3A_54 = tpu.vector_load %arg4[%get3A_53] {strides = array<i32>} : memref<8192xf32, #tpu.memory_space<vmem>>, vector<16xf32>,
      %get3A_55 = vector.shape_cast %get3A_54 : vector<16xf32> to vector<16xf32>
      %add3A_56 = arith.constant 128 : i32
      %add3A_57 = arith.addi %mul3A_16, %add3A_56 : i32
      %get3A_58 = arith.index_cast %add3A_57 : i32 to index
      %get3A_59 = tpu.vector_load %arg4[%get3A_58] {strides = array<i32>} : memref<8192xf32, #tpu.memory_space<vmem>>, vector<16xf32>,
      %get3A_60 = vector.shape_cast %get3A_59 : vector<16xf32> to vector<16xf32>
      %add3A_61 = arith.constant 144 : i32
      %add3A_62 = arith.addi %mul3A_16, %add3A_61 : i32
      %get3A_63 = arith.index_cast %add3A_62 : i32 to index
      %get3A_64 = tpu.vector_load %arg4[%get3A_63] {strides = array<i32>} : memref<8192xf32, #tpu.memory_space<vmem>>, vector<16xf32>,
      %get3A_65 = vector.shape_cast %get3A_64 : vector<16xf32> to vector<16xf32>
      %add3A_66 = arith.constant 160 : i32
      %add3A_67 = arith.addi %mul3A_16, %add3A_66 : i32
      %get3A_68 = arith.index_cast %add3A_67 : i32 to index
      %get3A_69 = tpu.vector_load %arg4[%get3A_68] {strides = array<i32>} : memref<8192xf32, #tpu.memory_space<vmem>>, vector<16xf32>,
      %get3A_70 = vector.shape_cast %get3A_69 : vector<16xf32> to vector<16xf32>
      %add3A_71 = arith.constant 176 : i32
      %add3A_72 = arith.addi %mul3A_16, %add3A_71 : i32
      %get3A_73 = arith.index_cast %add3A_72 : i32 to index
      %get3A_74 = tpu.vector_load %arg4[%get3A_73] {strides = array<i32>} : memref<8192xf32, #tpu.memory_space<vmem>>, vector<16xf32>,
      %get3A_75 = vector.shape_cast %get3A_74 : vector<16xf32> to vector<16xf32>
      %add3A_76 = arith.constant 192 : i32
      %add3A_77 = arith.addi %mul3A_16, %add3A_76 : i32
      %get3A_78 = arith.index_cast %add3A_77 : i32 to index
      %get3A_79 = tpu.vector_load %arg4[%get3A_78] {strides = array<i32>} : memref<8192xf32, #tpu.memory_space<vmem>>, vector<16xf32>,
      %get3A_80 = vector.shape_cast %get3A_79 : vector<16xf32> to vector<16xf32>
      %add3A_81 = arith.constant 208 : i32
      %add3A_82 = arith.addi %mul3A_16, %add3A_81 : i32
      %get3A_83 = arith.index_cast %add3A_82 : i32 to index
      %get3A_84 = tpu.vector_load %arg4[%get3A_83] {strides = array<i32>} : memref<8192xf32, #tpu.memory_space<vmem>>, vector<16xf32>,
      %get3A_85 = vector.shape_cast %get3A_84 : vector<16xf32> to vector<16xf32>
      %add3A_86 = arith.constant 224 : i32
      %add3A_87 = arith.addi %mul3A_16, %add3A_86 : i32
      %get3A_88 = arith.index_cast %add3A_87 : i32 to index
      %get3A_89 = tpu.vector_load %arg4[%get3A_88] {strides = array<i32>} : memref<8192xf32, #tpu.memory_space<vmem>>, vector<16xf32>,
      %get3A_90 = vector.shape_cast %get3A_89 : vector<16xf32> to vector<16xf32>
      %add3A_91 = arith.constant 240 : i32
      %add3A_92 = arith.addi %mul3A_16, %add3A_91 : i32
      %get3A_93 = arith.index_cast %add3A_92 : i32 to index
      %get3A_94 = tpu.vector_load %arg4[%get3A_93] {strides = array<i32>} : memref<8192xf32, #tpu.memory_space<vmem>>, vector<16xf32>,
      %get3A_95 = vector.shape_cast %get3A_94 : vector<16xf32> to vector<16xf32>
      %max3A = arith.maximumf %get3A_20, %get3A_25 : vector<16xf32>
      %max3A_96 = arith.maximumf %max3A, %get3A_30 : vector<16xf32>
      %max3A_97 = arith.maximumf %max3A_96, %get3A_35 : vector<16xf32>
      %max3A_98 = arith.maximumf %max3A_97, %get3A_40 : vector<16xf32>
      %max3A_99 = arith.maximumf %max3A_98, %get3A_45 : vector<16xf32>
      %max3A_100 = arith.maximumf %max3A_99, %get3A_50 : vector<16xf32>
      %max3A_101 = arith.maximumf %max3A_100, %get3A_55 : vector<16xf32>
      %max3A_102 = arith.maximumf %max3A_101, %get3A_60 : vector<16xf32>
      %max3A_103 = arith.maximumf %max3A_102, %get3A_65 : vector<16xf32>
      %max3A_104 = arith.maximumf %max3A_103, %get3A_70 : vector<16xf32>
      %max3A_105 = arith.maximumf %max3A_104, %get3A_75 : vector<16xf32>
      %max3A_106 = arith.maximumf %max3A_105, %get3A_80 : vector<16xf32>
      %max3A_107 = arith.maximumf %max3A_106, %get3A_85 : vector<16xf32>
      %max3A_108 = arith.maximumf %max3A_107, %get3A_90 : vector<16xf32>
      %max3A_109 = arith.maximumf %max3A_108, %get3A_95 : vector<16xf32>
      %xor3A = arith.constant 1 : i32
      %xor3A_110 = vector.broadcast %xor3A : i32 to vector<16xi32>
      %xor3A_111 = arith.xori %iota3A, %xor3A_110 : vector<16xi32>
      %lt3A = arith.constant 0 : i32
      %lt3A_112 = vector.broadcast %lt3A : i32 to vector<16xi32>
      %lt3A_113 = arith.cmpi slt, %xor3A_111, %lt3A_112 : vector<16xi32>
      %add3A_114 = arith.constant 16 : i32
      %add3A_115 = vector.broadcast %add3A_114 : i32 to vector<16xi32>
      %add3A_116 = arith.addi %xor3A_111, %add3A_115 : vector<16xi32>
      %select_n3A = arith.select %lt3A_113, %add3A_116, %xor3A_111 : vector<16xi1>, vector<16xi32>
      %broadcast_in_dim3A = vector.shape_cast %select_n3A : vector<16xi32> to vector<16x1xi32>
      %gather3A = vector.shape_cast %broadcast_in_dim3A : vector<16x1xi32> to vector<16xi32>
      %gather3A_117 = tpu.dynamic_gather %max3A_109[%gather3A] in [0] : vector<16xf32>, vector<16xi32> -> vector<16xf32>
      %max3A_118 = arith.maximumf %max3A_109, %gather3A_117 : vector<16xf32>
      %xor3A_119 = arith.constant 2 : i32
      %xor3A_120 = vector.broadcast %xor3A_119 : i32 to vector<16xi32>
      %xor3A_121 = arith.xori %iota3A, %xor3A_120 : vector<16xi32>
      %lt3A_122 = arith.constant 0 : i32
      %lt3A_123 = vector.broadcast %lt3A_122 : i32 to vector<16xi32>
      %lt3A_124 = arith.cmpi slt, %xor3A_121, %lt3A_123 : vector<16xi32>
      %add3A_125 = arith.constant 16 : i32
      %add3A_126 = vector.broadcast %add3A_125 : i32 to vector<16xi32>
      %add3A_127 = arith.addi %xor3A_121, %add3A_126 : vector<16xi32>
      %select_n3A_128 = arith.select %lt3A_124, %add3A_127, %xor3A_121 : vector<16xi1>, vector<16xi32>
      %broadcast_in_dim3A_129 = vector.shape_cast %select_n3A_128 : vector<16xi32> to vector<16x1xi32>
      %gather3A_130 = vector.shape_cast %broadcast_in_dim3A_129 : vector<16x1xi32> to vector<16xi32>
      %gather3A_131 = tpu.dynamic_gather %max3A_118[%gather3A_130] in [0] : vector<16xf32>, vector<16xi32> -> vector<16xf32>
      %max3A_132 = arith.maximumf %max3A_118, %gather3A_131 : vector<16xf32>
      %xor3A_133 = arith.constant 4 : i32
      %xor3A_134 = vector.broadcast %xor3A_133 : i32 to vector<16xi32>
      %xor3A_135 = arith.xori %iota3A, %xor3A_134 : vector<16xi32>
      %lt3A_136 = arith.constant 0 : i32
      %lt3A_137 = vector.broadcast %lt3A_136 : i32 to vector<16xi32>
      %lt3A_138 = arith.cmpi slt, %xor3A_135, %lt3A_137 : vector<16xi32>
      %add3A_139 = arith.constant 16 : i32
      %add3A_140 = vector.broadcast %add3A_139 : i32 to vector<16xi32>
      %add3A_141 = arith.addi %xor3A_135, %add3A_140 : vector<16xi32>
      %select_n3A_142 = arith.select %lt3A_138, %add3A_141, %xor3A_135 : vector<16xi1>, vector<16xi32>
      %broadcast_in_dim3A_143 = vector.shape_cast %select_n3A_142 : vector<16xi32> to vector<16x1xi32>
      %gather3A_144 = vector.shape_cast %broadcast_in_dim3A_143 : vector<16x1xi32> to vector<16xi32>
      %gather3A_145 = tpu.dynamic_gather %max3A_132[%gather3A_144] in [0] : vector<16xf32>, vector<16xi32> -> vector<16xf32>
      %max3A_146 = arith.maximumf %max3A_132, %gather3A_145 : vector<16xf32>
      %xor3A_147 = arith.constant 8 : i32
      %xor3A_148 = vector.broadcast %xor3A_147 : i32 to vector<16xi32>
      %xor3A_149 = arith.xori %iota3A, %xor3A_148 : vector<16xi32>
      %lt3A_150 = arith.constant 0 : i32
      %lt3A_151 = vector.broadcast %lt3A_150 : i32 to vector<16xi32>
      %lt3A_152 = arith.cmpi slt, %xor3A_149, %lt3A_151 : vector<16xi32>
      %add3A_153 = arith.constant 16 : i32
      %add3A_154 = vector.broadcast %add3A_153 : i32 to vector<16xi32>
      %add3A_155 = arith.addi %xor3A_149, %add3A_154 : vector<16xi32>
      %select_n3A_156 = arith.select %lt3A_152, %add3A_155, %xor3A_149 : vector<16xi1>, vector<16xi32>
      %broadcast_in_dim3A_157 = vector.shape_cast %select_n3A_156 : vector<16xi32> to vector<16x1xi32>
      %gather3A_158 = vector.shape_cast %broadcast_in_dim3A_157 : vector<16x1xi32> to vector<16xi32>
      %gather3A_159 = tpu.dynamic_gather %max3A_146[%gather3A_158] in [0] : vector<16xf32>, vector<16xi32> -> vector<16xf32>
      %max3A_160 = arith.maximumf %max3A_146, %gather3A_159 : vector<16xf32>
      %sub3A = arith.subf %get3A_20, %max3A_160 : vector<16xf32>
      %exp3A = math.exp %sub3A : vector<16xf32>
      %add3A_161 = arith.constant 0 : i32
      %add3A_162 = arith.addi %mul3A_16, %add3A_161 : i32
      %swap3A = arith.index_cast %add3A_162 : i32 to index
      %swap3A_163 = tpu.vector_load %arg4[%swap3A] {strides = array<i32>} : memref<8192xf32, #tpu.memory_space<vmem>>, vector<16xf32>,
      %swap3A_164 = vector.shape_cast %swap3A_163 : vector<16xf32> to vector<16xf32>
      %swap3A_165 = vector.shape_cast %exp3A : vector<16xf32> to vector<16xf32>
      tpu.vector_store %arg4[%swap3A], %swap3A_165 {strides = array<i32>} : memref<8192xf32, #tpu.memory_space<vmem>>, vector<16xf32>,
      %sub3A_166 = arith.subf %get3A_25, %max3A_160 : vector<16xf32>
      %exp3A_167 = math.exp %sub3A_166 : vector<16xf32>
      %add3A_168 = arith.constant 16 : i32
      %add3A_169 = arith.addi %mul3A_16, %add3A_168 : i32
      %swap3A_170 = arith.index_cast %add3A_169 : i32 to index
      %swap3A_171 = tpu.vector_load %arg4[%swap3A_170] {strides = array<i32>} : memref<8192xf32, #tpu.memory_space<vmem>>, vector<16xf32>,
      %swap3A_172 = vector.shape_cast %swap3A_171 : vector<16xf32> to vector<16xf32>
      %swap3A_173 = vector.shape_cast %exp3A_167 : vector<16xf32> to vector<16xf32>
      tpu.vector_store %arg4[%swap3A_170], %swap3A_173 {strides = array<i32>} : memref<8192xf32, #tpu.memory_space<vmem>>, vector<16xf32>,
      %add3A_174 = arith.addf %exp3A, %exp3A_167 : vector<16xf32>
      %sub3A_175 = arith.subf %get3A_30, %max3A_160 : vector<16xf32>
      %exp3A_176 = math.exp %sub3A_175 : vector<16xf32>
      %add3A_177 = arith.constant 32 : i32
      %add3A_178 = arith.addi %mul3A_16, %add3A_177 : i32
      %swap3A_179 = arith.index_cast %add3A_178 : i32 to index
      %swap3A_180 = tpu.vector_load %arg4[%swap3A_179] {strides = array<i32>} : memref<8192xf32, #tpu.memory_space<vmem>>, vector<16xf32>,
      %swap3A_181 = vector.shape_cast %swap3A_180 : vector<16xf32> to vector<16xf32>
      %swap3A_182 = vector.shape_cast %exp3A_176 : vector<16xf32> to vector<16xf32>
      tpu.vector_store %arg4[%swap3A_179], %swap3A_182 {strides = array<i32>} : memref<8192xf32, #tpu.memory_space<vmem>>, vector<16xf32>,
      %add3A_183 = arith.addf %add3A_174, %exp3A_176 : vector<16xf32>
      %sub3A_184 = arith.subf %get3A_35, %max3A_160 : vector<16xf32>
      %exp3A_185 = math.exp %sub3A_184 : vector<16xf32>
      %add3A_186 = arith.constant 48 : i32
      %add3A_187 = arith.addi %mul3A_16, %add3A_186 : i32
      %swap3A_188 = arith.index_cast %add3A_187 : i32 to index
      %swap3A_189 = tpu.vector_load %arg4[%swap3A_188] {strides = array<i32>} : memref<8192xf32, #tpu.memory_space<vmem>>, vector<16xf32>,
      %swap3A_190 = vector.shape_cast %swap3A_189 : vector<16xf32> to vector<16xf32>
      %swap3A_191 = vector.shape_cast %exp3A_185 : vector<16xf32> to vector<16xf32>
      tpu.vector_store %arg4[%swap3A_188], %swap3A_191 {strides = array<i32>} : memref<8192xf32, #tpu.memory_space<vmem>>, vector<16xf32>,
      %add3A_192 = arith.addf %add3A_183, %exp3A_185 : vector<16xf32>
      %sub3A_193 = arith.subf %get3A_40, %max3A_160 : vector<16xf32>
      %exp3A_194 = math.exp %sub3A_193 : vector<16xf32>
      %add3A_195 = arith.constant 64 : i32
      %add3A_196 = arith.addi %mul3A_16, %add3A_195 : i32
      %swap3A_197 = arith.index_cast %add3A_196 : i32 to index
      %swap3A_198 = tpu.vector_load %arg4[%swap3A_197] {strides = array<i32>} : memref<8192xf32, #tpu.memory_space<vmem>>, vector<16xf32>,
      %swap3A_199 = vector.shape_cast %swap3A_198 : vector<16xf32> to vector<16xf32>
      %swap3A_200 = vector.shape_cast %exp3A_194 : vector<16xf32> to vector<16xf32>
      tpu.vector_store %arg4[%swap3A_197], %swap3A_200 {strides = array<i32>} : memref<8192xf32, #tpu.memory_space<vmem>>, vector<16xf32>,
      %add3A_201 = arith.addf %add3A_192, %exp3A_194 : vector<16xf32>
      %sub3A_202 = arith.subf %get3A_45, %max3A_160 : vector<16xf32>
      %exp3A_203 = math.exp %sub3A_202 : vector<16xf32>
      %add3A_204 = arith.constant 80 : i32
      %add3A_205 = arith.addi %mul3A_16, %add3A_204 : i32
      %swap3A_206 = arith.index_cast %add3A_205 : i32 to index
      %swap3A_207 = tpu.vector_load %arg4[%swap3A_206] {strides = array<i32>} : memref<8192xf32, #tpu.memory_space<vmem>>, vector<16xf32>,
      %swap3A_208 = vector.shape_cast %swap3A_207 : vector<16xf32> to vector<16xf32>
      %swap3A_209 = vector.shape_cast %exp3A_203 : vector<16xf32> to vector<16xf32>
      tpu.vector_store %arg4[%swap3A_206], %swap3A_209 {strides = array<i32>} : memref<8192xf32, #tpu.memory_space<vmem>>, vector<16xf32>,
      %add3A_210 = arith.addf %add3A_201, %exp3A_203 : vector<16xf32>
      %sub3A_211 = arith.subf %get3A_50, %max3A_160 : vector<16xf32>
      %exp3A_212 = math.exp %sub3A_211 : vector<16xf32>
      %add3A_213 = arith.constant 96 : i32
      %add3A_214 = arith.addi %mul3A_16, %add3A_213 : i32
      %swap3A_215 = arith.index_cast %add3A_214 : i32 to index
      %swap3A_216 = tpu.vector_load %arg4[%swap3A_215] {strides = array<i32>} : memref<8192xf32, #tpu.memory_space<vmem>>, vector<16xf32>,
      %swap3A_217 = vector.shape_cast %swap3A_216 : vector<16xf32> to vector<16xf32>
      %swap3A_218 = vector.shape_cast %exp3A_212 : vector<16xf32> to vector<16xf32>
      tpu.vector_store %arg4[%swap3A_215], %swap3A_218 {strides = array<i32>} : memref<8192xf32, #tpu.memory_space<vmem>>, vector<16xf32>,
      %add3A_219 = arith.addf %add3A_210, %exp3A_212 : vector<16xf32>
      %sub3A_220 = arith.subf %get3A_55, %max3A_160 : vector<16xf32>
      %exp3A_221 = math.exp %sub3A_220 : vector<16xf32>
      %add3A_222 = arith.constant 112 : i32
      %add3A_223 = arith.addi %mul3A_16, %add3A_222 : i32
      %swap3A_224 = arith.index_cast %add3A_223 : i32 to index
      %swap3A_225 = tpu.vector_load %arg4[%swap3A_224] {strides = array<i32>} : memref<8192xf32, #tpu.memory_space<vmem>>, vector<16xf32>,
      %swap3A_226 = vector.shape_cast %swap3A_225 : vector<16xf32> to vector<16xf32>
      %swap3A_227 = vector.shape_cast %exp3A_221 : vector<16xf32> to vector<16xf32>
      tpu.vector_store %arg4[%swap3A_224], %swap3A_227 {strides = array<i32>} : memref<8192xf32, #tpu.memory_space<vmem>>, vector<16xf32>,
      %add3A_228 = arith.addf %add3A_219, %exp3A_221 : vector<16xf32>
      %sub3A_229 = arith.subf %get3A_60, %max3A_160 : vector<16xf32>
      %exp3A_230 = math.exp %sub3A_229 : vector<16xf32>
      %add3A_231 = arith.constant 128 : i32
      %add3A_232 = arith.addi %mul3A_16, %add3A_231 : i32
      %swap3A_233 = arith.index_cast %add3A_232 : i32 to index
      %swap3A_234 = tpu.vector_load %arg4[%swap3A_233] {strides = array<i32>} : memref<8192xf32, #tpu.memory_space<vmem>>, vector<16xf32>,
      %swap3A_235 = vector.shape_cast %swap3A_234 : vector<16xf32> to vector<16xf32>
      %swap3A_236 = vector.shape_cast %exp3A_230 : vector<16xf32> to vector<16xf32>
      tpu.vector_store %arg4[%swap3A_233], %swap3A_236 {strides = array<i32>} : memref<8192xf32, #tpu.memory_space<vmem>>, vector<16xf32>,
      %add3A_237 = arith.addf %add3A_228, %exp3A_230 : vector<16xf32>
      %sub3A_238 = arith.subf %get3A_65, %max3A_160 : vector<16xf32>
      %exp3A_239 = math.exp %sub3A_238 : vector<16xf32>
      %add3A_240 = arith.constant 144 : i32
      %add3A_241 = arith.addi %mul3A_16, %add3A_240 : i32
      %swap3A_242 = arith.index_cast %add3A_241 : i32 to index
      %swap3A_243 = tpu.vector_load %arg4[%swap3A_242] {strides = array<i32>} : memref<8192xf32, #tpu.memory_space<vmem>>, vector<16xf32>,
      %swap3A_244 = vector.shape_cast %swap3A_243 : vector<16xf32> to vector<16xf32>
      %swap3A_245 = vector.shape_cast %exp3A_239 : vector<16xf32> to vector<16xf32>
      tpu.vector_store %arg4[%swap3A_242], %swap3A_245 {strides = array<i32>} : memref<8192xf32, #tpu.memory_space<vmem>>, vector<16xf32>,
      %add3A_246 = arith.addf %add3A_237, %exp3A_239 : vector<16xf32>
      %sub3A_247 = arith.subf %get3A_70, %max3A_160 : vector<16xf32>
      %exp3A_248 = math.exp %sub3A_247 : vector<16xf32>
      %add3A_249 = arith.constant 160 : i32
      %add3A_250 = arith.addi %mul3A_16, %add3A_249 : i32
      %swap3A_251 = arith.index_cast %add3A_250 : i32 to index
      %swap3A_252 = tpu.vector_load %arg4[%swap3A_251] {strides = array<i32>} : memref<8192xf32, #tpu.memory_space<vmem>>, vector<16xf32>,
      %swap3A_253 = vector.shape_cast %swap3A_252 : vector<16xf32> to vector<16xf32>
      %swap3A_254 = vector.shape_cast %exp3A_248 : vector<16xf32> to vector<16xf32>
      tpu.vector_store %arg4[%swap3A_251], %swap3A_254 {strides = array<i32>} : memref<8192xf32, #tpu.memory_space<vmem>>, vector<16xf32>,
      %add3A_255 = arith.addf %add3A_246, %exp3A_248 : vector<16xf32>
      %sub3A_256 = arith.subf %get3A_75, %max3A_160 : vector<16xf32>
      %exp3A_257 = math.exp %sub3A_256 : vector<16xf32>
      %add3A_258 = arith.constant 176 : i32
      %add3A_259 = arith.addi %mul3A_16, %add3A_258 : i32
      %swap3A_260 = arith.index_cast %add3A_259 : i32 to index
      %swap3A_261 = tpu.vector_load %arg4[%swap3A_260] {strides = array<i32>} : memref<8192xf32, #tpu.memory_space<vmem>>, vector<16xf32>,
      %swap3A_262 = vector.shape_cast %swap3A_261 : vector<16xf32> to vector<16xf32>
      %swap3A_263 = vector.shape_cast %exp3A_257 : vector<16xf32> to vector<16xf32>
      tpu.vector_store %arg4[%swap3A_260], %swap3A_263 {strides = array<i32>} : memref<8192xf32, #tpu.memory_space<vmem>>, vector<16xf32>,
      %add3A_264 = arith.addf %add3A_255, %exp3A_257 : vector<16xf32>
      %sub3A_265 = arith.subf %get3A_80, %max3A_160 : vector<16xf32>
      %exp3A_266 = math.exp %sub3A_265 : vector<16xf32>
      %add3A_267 = arith.constant 192 : i32
      %add3A_268 = arith.addi %mul3A_16, %add3A_267 : i32
      %swap3A_269 = arith.index_cast %add3A_268 : i32 to index
      %swap3A_270 = tpu.vector_load %arg4[%swap3A_269] {strides = array<i32>} : memref<8192xf32, #tpu.memory_space<vmem>>, vector<16xf32>,
      %swap3A_271 = vector.shape_cast %swap3A_270 : vector<16xf32> to vector<16xf32>
      %swap3A_272 = vector.shape_cast %exp3A_266 : vector<16xf32> to vector<16xf32>
      tpu.vector_store %arg4[%swap3A_269], %swap3A_272 {strides = array<i32>} : memref<8192xf32, #tpu.memory_space<vmem>>, vector<16xf32>,
      %add3A_273 = arith.addf %add3A_264, %exp3A_266 : vector<16xf32>
      %sub3A_274 = arith.subf %get3A_85, %max3A_160 : vector<16xf32>
      %exp3A_275 = math.exp %sub3A_274 : vector<16xf32>
      %add3A_276 = arith.constant 208 : i32
      %add3A_277 = arith.addi %mul3A_16, %add3A_276 : i32
      %swap3A_278 = arith.index_cast %add3A_277 : i32 to index
      %swap3A_279 = tpu.vector_load %arg4[%swap3A_278] {strides = array<i32>} : memref<8192xf32, #tpu.memory_space<vmem>>, vector<16xf32>,
      %swap3A_280 = vector.shape_cast %swap3A_279 : vector<16xf32> to vector<16xf32>
      %swap3A_281 = vector.shape_cast %exp3A_275 : vector<16xf32> to vector<16xf32>
      tpu.vector_store %arg4[%swap3A_278], %swap3A_281 {strides = array<i32>} : memref<8192xf32, #tpu.memory_space<vmem>>, vector<16xf32>,
      %add3A_282 = arith.addf %add3A_273, %exp3A_275 : vector<16xf32>
      %sub3A_283 = arith.subf %get3A_90, %max3A_160 : vector<16xf32>
      %exp3A_284 = math.exp %sub3A_283 : vector<16xf32>
      %add3A_285 = arith.constant 224 : i32
      %add3A_286 = arith.addi %mul3A_16, %add3A_285 : i32
      %swap3A_287 = arith.index_cast %add3A_286 : i32 to index
      %swap3A_288 = tpu.vector_load %arg4[%swap3A_287] {strides = array<i32>} : memref<8192xf32, #tpu.memory_space<vmem>>, vector<16xf32>,
      %swap3A_289 = vector.shape_cast %swap3A_288 : vector<16xf32> to vector<16xf32>
      %swap3A_290 = vector.shape_cast %exp3A_284 : vector<16xf32> to vector<16xf32>
      tpu.vector_store %arg4[%swap3A_287], %swap3A_290 {strides = array<i32>} : memref<8192xf32, #tpu.memory_space<vmem>>, vector<16xf32>,
      %add3A_291 = arith.addf %add3A_282, %exp3A_284 : vector<16xf32>
      %sub3A_292 = arith.subf %get3A_95, %max3A_160 : vector<16xf32>
      %exp3A_293 = math.exp %sub3A_292 : vector<16xf32>
      %add3A_294 = arith.constant 240 : i32
      %add3A_295 = arith.addi %mul3A_16, %add3A_294 : i32
      %swap3A_296 = arith.index_cast %add3A_295 : i32 to index
      %swap3A_297 = tpu.vector_load %arg4[%swap3A_296] {strides = array<i32>} : memref<8192xf32, #tpu.memory_space<vmem>>, vector<16xf32>,
      %swap3A_298 = vector.shape_cast %swap3A_297 : vector<16xf32> to vector<16xf32>
      %swap3A_299 = vector.shape_cast %exp3A_293 : vector<16xf32> to vector<16xf32>
      tpu.vector_store %arg4[%swap3A_296], %swap3A_299 {strides = array<i32>} : memref<8192xf32, #tpu.memory_space<vmem>>, vector<16xf32>,
      %add3A_300 = arith.addf %add3A_291, %exp3A_293 : vector<16xf32>
      %xor3A_301 = arith.constant 1 : i32
      %xor3A_302 = vector.broadcast %xor3A_301 : i32 to vector<16xi32>
      %xor3A_303 = arith.xori %iota3A, %xor3A_302 : vector<16xi32>
      %lt3A_304 = arith.constant 0 : i32
      %lt3A_305 = vector.broadcast %lt3A_304 : i32 to vector<16xi32>
      %lt3A_306 = arith.cmpi slt, %xor3A_303, %lt3A_305 : vector<16xi32>
      %add3A_307 = arith.constant 16 : i32
      %add3A_308 = vector.broadcast %add3A_307 : i32 to vector<16xi32>
      %add3A_309 = arith.addi %xor3A_303, %add3A_308 : vector<16xi32>
      %select_n3A_310 = arith.select %lt3A_306, %add3A_309, %xor3A_303 : vector<16xi1>, vector<16xi32>
      %broadcast_in_dim3A_311 = vector.shape_cast %select_n3A_310 : vector<16xi32> to vector<16x1xi32>
      %gather3A_312 = vector.shape_cast %broadcast_in_dim3A_311 : vector<16x1xi32> to vector<16xi32>
      %gather3A_313 = tpu.dynamic_gather %add3A_300[%gather3A_312] in [0] : vector<16xf32>, vector<16xi32> -> vector<16xf32>
      %add3A_314 = arith.addf %add3A_300, %gather3A_313 : vector<16xf32>
      %xor3A_315 = arith.constant 2 : i32
      %xor3A_316 = vector.broadcast %xor3A_315 : i32 to vector<16xi32>
      %xor3A_317 = arith.xori %iota3A, %xor3A_316 : vector<16xi32>
      %lt3A_318 = arith.constant 0 : i32
      %lt3A_319 = vector.broadcast %lt3A_318 : i32 to vector<16xi32>
      %lt3A_320 = arith.cmpi slt, %xor3A_317, %lt3A_319 : vector<16xi32>
      %add3A_321 = arith.constant 16 : i32
      %add3A_322 = vector.broadcast %add3A_321 : i32 to vector<16xi32>
      %add3A_323 = arith.addi %xor3A_317, %add3A_322 : vector<16xi32>
      %select_n3A_324 = arith.select %lt3A_320, %add3A_323, %xor3A_317 : vector<16xi1>, vector<16xi32>
      %broadcast_in_dim3A_325 = vector.shape_cast %select_n3A_324 : vector<16xi32> to vector<16x1xi32>
      %gather3A_326 = vector.shape_cast %broadcast_in_dim3A_325 : vector<16x1xi32> to vector<16xi32>
      %gather3A_327 = tpu.dynamic_gather %add3A_314[%gather3A_326] in [0] : vector<16xf32>, vector<16xi32> -> vector<16xf32>
      %add3A_328 = arith.addf %add3A_314, %gather3A_327 : vector<16xf32>
      %xor3A_329 = arith.constant 4 : i32
      %xor3A_330 = vector.broadcast %xor3A_329 : i32 to vector<16xi32>
      %xor3A_331 = arith.xori %iota3A, %xor3A_330 : vector<16xi32>
      %lt3A_332 = arith.constant 0 : i32
      %lt3A_333 = vector.broadcast %lt3A_332 : i32 to vector<16xi32>
      %lt3A_334 = arith.cmpi slt, %xor3A_331, %lt3A_333 : vector<16xi32>
      %add3A_335 = arith.constant 16 : i32
      %add3A_336 = vector.broadcast %add3A_335 : i32 to vector<16xi32>
      %add3A_337 = arith.addi %xor3A_331, %add3A_336 : vector<16xi32>
      %select_n3A_338 = arith.select %lt3A_334, %add3A_337, %xor3A_331 : vector<16xi1>, vector<16xi32>
      %broadcast_in_dim3A_339 = vector.shape_cast %select_n3A_338 : vector<16xi32> to vector<16x1xi32>
      %gather3A_340 = vector.shape_cast %broadcast_in_dim3A_339 : vector<16x1xi32> to vector<16xi32>
      %gather3A_341 = tpu.dynamic_gather %add3A_328[%gather3A_340] in [0] : vector<16xf32>, vector<16xi32> -> vector<16xf32>
      %add3A_342 = arith.addf %add3A_328, %gather3A_341 : vector<16xf32>
      %xor3A_343 = arith.constant 8 : i32
      %xor3A_344 = vector.broadcast %xor3A_343 : i32 to vector<16xi32>
      %xor3A_345 = arith.xori %iota3A, %xor3A_344 : vector<16xi32>
      %lt3A_346 = arith.constant 0 : i32
      %lt3A_347 = vector.broadcast %lt3A_346 : i32 to vector<16xi32>
      %lt3A_348 = arith.cmpi slt, %xor3A_345, %lt3A_347 : vector<16xi32>
      %add3A_349 = arith.constant 16 : i32
      %add3A_350 = vector.broadcast %add3A_349 : i32 to vector<16xi32>
      %add3A_351 = arith.addi %xor3A_345, %add3A_350 : vector<16xi32>
      %select_n3A_352 = arith.select %lt3A_348, %add3A_351, %xor3A_345 : vector<16xi1>, vector<16xi32>
      %broadcast_in_dim3A_353 = vector.shape_cast %select_n3A_352 : vector<16xi32> to vector<16x1xi32>
      %gather3A_354 = vector.shape_cast %broadcast_in_dim3A_353 : vector<16x1xi32> to vector<16xi32>
      %gather3A_355 = tpu.dynamic_gather %add3A_342[%gather3A_354] in [0] : vector<16xf32>, vector<16xi32> -> vector<16xf32>
      %add3A_356 = arith.addf %add3A_342, %gather3A_355 : vector<16xf32>
      %div3A = arith.constant 1.000000e+00 : f32
      %div3A_357 = vector.broadcast %div3A : f32 to vector<16xf32>
      %div3A_358 = arith.divf %div3A_357, %add3A_356 : vector<16xf32>
      %mul3A_359 = arith.constant 16 : i32
      %mul3A_360 = arith.muli %scan3A_14, %mul3A_359 : i32
      %swap3A_361 = arith.index_cast %mul3A_360 : i32 to index
      %swap3A_362 = tpu.vector_load %arg5[%swap3A_361] {strides = array<i32>} : memref<512xf32, #tpu.memory_space<vmem>>, vector<16xf32>,
      %swap3A_363 = vector.shape_cast %swap3A_362 : vector<16xf32> to vector<16xf32>
      %swap3A_364 = vector.shape_cast %div3A_358 : vector<16xf32> to vector<16xf32>
      tpu.vector_store %arg5[%swap3A_361], %swap3A_364 {strides = array<i32>} : memref<512xf32, #tpu.memory_space<vmem>>, vector<16xf32>,
      %scan3A_365 = arith.constant 1 : i32
      %scan3A_366 = arith.addi %scan3A_14, %scan3A_365 : i32
      %mul3A_367 = arith.constant 256 : i32
      %mul3A_368 = arith.muli %scan3A_366, %mul3A_367 : i32
      %add3A_369 = arith.constant 0 : i32
      %add3A_370 = arith.addi %mul3A_368, %add3A_369 : i32
      %get3A_371 = arith.index_cast %add3A_370 : i32 to index
      %get3A_372 = tpu.vector_load %arg4[%get3A_371] {strides = array<i32>} : memref<8192xf32, #tpu.memory_space<vmem>>, vector<16xf32>,
      %get3A_373 = vector.shape_cast %get3A_372 : vector<16xf32> to vector<16xf32>
      %add3A_374 = arith.constant 16 : i32
      %add3A_375 = arith.addi %mul3A_368, %add3A_374 : i32
      %get3A_376 = arith.index_cast %add3A_375 : i32 to index
      %get3A_377 = tpu.vector_load %arg4[%get3A_376] {strides = array<i32>} : memref<8192xf32, #tpu.memory_space<vmem>>, vector<16xf32>,
      %get3A_378 = vector.shape_cast %get3A_377 : vector<16xf32> to vector<16xf32>
      %add3A_379 = arith.constant 32 : i32
      %add3A_380 = arith.addi %mul3A_368, %add3A_379 : i32
      %get3A_381 = arith.index_cast %add3A_380 : i32 to index
      %get3A_382 = tpu.vector_load %arg4[%get3A_381] {strides = array<i32>} : memref<8192xf32, #tpu.memory_space<vmem>>, vector<16xf32>,
      %get3A_383 = vector.shape_cast %get3A_382 : vector<16xf32> to vector<16xf32>
      %add3A_384 = arith.constant 48 : i32
      %add3A_385 = arith.addi %mul3A_368, %add3A_384 : i32
      %get3A_386 = arith.index_cast %add3A_385 : i32 to index
      %get3A_387 = tpu.vector_load %arg4[%get3A_386] {strides = array<i32>} : memref<8192xf32, #tpu.memory_space<vmem>>, vector<16xf32>,
      %get3A_388 = vector.shape_cast %get3A_387 : vector<16xf32> to vector<16xf32>
      %add3A_389 = arith.constant 64 : i32
      %add3A_390 = arith.addi %mul3A_368, %add3A_389 : i32
      %get3A_391 = arith.index_cast %add3A_390 : i32 to index
      %get3A_392 = tpu.vector_load %arg4[%get3A_391] {strides = array<i32>} : memref<8192xf32, #tpu.memory_space<vmem>>, vector<16xf32>,
      %get3A_393 = vector.shape_cast %get3A_392 : vector<16xf32> to vector<16xf32>
      %add3A_394 = arith.constant 80 : i32
      %add3A_395 = arith.addi %mul3A_368, %add3A_394 : i32
      %get3A_396 = arith.index_cast %add3A_395 : i32 to index
      %get3A_397 = tpu.vector_load %arg4[%get3A_396] {strides = array<i32>} : memref<8192xf32, #tpu.memory_space<vmem>>, vector<16xf32>,
      %get3A_398 = vector.shape_cast %get3A_397 : vector<16xf32> to vector<16xf32>
      %add3A_399 = arith.constant 96 : i32
      %add3A_400 = arith.addi %mul3A_368, %add3A_399 : i32
      %get3A_401 = arith.index_cast %add3A_400 : i32 to index
      %get3A_402 = tpu.vector_load %arg4[%get3A_401] {strides = array<i32>} : memref<8192xf32, #tpu.memory_space<vmem>>, vector<16xf32>,
      %get3A_403 = vector.shape_cast %get3A_402 : vector<16xf32> to vector<16xf32>
      %add3A_404 = arith.constant 112 : i32
      %add3A_405 = arith.addi %mul3A_368, %add3A_404 : i32
      %get3A_406 = arith.index_cast %add3A_405 : i32 to index
      %get3A_407 = tpu.vector_load %arg4[%get3A_406] {strides = array<i32>} : memref<8192xf32, #tpu.memory_space<vmem>>, vector<16xf32>,
      %get3A_408 = vector.shape_cast %get3A_407 : vector<16xf32> to vector<16xf32>
      %add3A_409 = arith.constant 128 : i32
      %add3A_410 = arith.addi %mul3A_368, %add3A_409 : i32
      %get3A_411 = arith.index_cast %add3A_410 : i32 to index
      %get3A_412 = tpu.vector_load %arg4[%get3A_411] {strides = array<i32>} : memref<8192xf32, #tpu.memory_space<vmem>>, vector<16xf32>,
      %get3A_413 = vector.shape_cast %get3A_412 : vector<16xf32> to vector<16xf32>
      %add3A_414 = arith.constant 144 : i32
      %add3A_415 = arith.addi %mul3A_368, %add3A_414 : i32
      %get3A_416 = arith.index_cast %add3A_415 : i32 to index
      %get3A_417 = tpu.vector_load %arg4[%get3A_416] {strides = array<i32>} : memref<8192xf32, #tpu.memory_space<vmem>>, vector<16xf32>,
      %get3A_418 = vector.shape_cast %get3A_417 : vector<16xf32> to vector<16xf32>
      %add3A_419 = arith.constant 160 : i32
      %add3A_420 = arith.addi %mul3A_368, %add3A_419 : i32
      %get3A_421 = arith.index_cast %add3A_420 : i32 to index
      %get3A_422 = tpu.vector_load %arg4[%get3A_421] {strides = array<i32>} : memref<8192xf32, #tpu.memory_space<vmem>>, vector<16xf32>,
      %get3A_423 = vector.shape_cast %get3A_422 : vector<16xf32> to vector<16xf32>
      %add3A_424 = arith.constant 176 : i32
      %add3A_425 = arith.addi %mul3A_368, %add3A_424 : i32
      %get3A_426 = arith.index_cast %add3A_425 : i32 to index
      %get3A_427 = tpu.vector_load %arg4[%get3A_426] {strides = array<i32>} : memref<8192xf32, #tpu.memory_space<vmem>>, vector<16xf32>,
      %get3A_428 = vector.shape_cast %get3A_427 : vector<16xf32> to vector<16xf32>
      %add3A_429 = arith.constant 192 : i32
      %add3A_430 = arith.addi %mul3A_368, %add3A_429 : i32
      %get3A_431 = arith.index_cast %add3A_430 : i32 to index
      %get3A_432 = tpu.vector_load %arg4[%get3A_431] {strides = array<i32>} : memref<8192xf32, #tpu.memory_space<vmem>>, vector<16xf32>,
      %get3A_433 = vector.shape_cast %get3A_432 : vector<16xf32> to vector<16xf32>
      %add3A_434 = arith.constant 208 : i32
      %add3A_435 = arith.addi %mul3A_368, %add3A_434 : i32
      %get3A_436 = arith.index_cast %add3A_435 : i32 to index
      %get3A_437 = tpu.vector_load %arg4[%get3A_436] {strides = array<i32>} : memref<8192xf32, #tpu.memory_space<vmem>>, vector<16xf32>,
      %get3A_438 = vector.shape_cast %get3A_437 : vector<16xf32> to vector<16xf32>
      %add3A_439 = arith.constant 224 : i32
      %add3A_440 = arith.addi %mul3A_368, %add3A_439 : i32
      %get3A_441 = arith.index_cast %add3A_440 : i32 to index
      %get3A_442 = tpu.vector_load %arg4[%get3A_441] {strides = array<i32>} : memref<8192xf32, #tpu.memory_space<vmem>>, vector<16xf32>,
      %get3A_443 = vector.shape_cast %get3A_442 : vector<16xf32> to vector<16xf32>
      %add3A_444 = arith.constant 240 : i32
      %add3A_445 = arith.addi %mul3A_368, %add3A_444 : i32
      %get3A_446 = arith.index_cast %add3A_445 : i32 to index
      %get3A_447 = tpu.vector_load %arg4[%get3A_446] {strides = array<i32>} : memref<8192xf32, #tpu.memory_space<vmem>>, vector<16xf32>,
      %get3A_448 = vector.shape_cast %get3A_447 : vector<16xf32> to vector<16xf32>
      %max3A_449 = arith.maximumf %get3A_373, %get3A_378 : vector<16xf32>
      %max3A_450 = arith.maximumf %max3A_449, %get3A_383 : vector<16xf32>
      %max3A_451 = arith.maximumf %max3A_450, %get3A_388 : vector<16xf32>
      %max3A_452 = arith.maximumf %max3A_451, %get3A_393 : vector<16xf32>
      %max3A_453 = arith.maximumf %max3A_452, %get3A_398 : vector<16xf32>
      %max3A_454 = arith.maximumf %max3A_453, %get3A_403 : vector<16xf32>
      %max3A_455 = arith.maximumf %max3A_454, %get3A_408 : vector<16xf32>
      %max3A_456 = arith.maximumf %max3A_455, %get3A_413 : vector<16xf32>
      %max3A_457 = arith.maximumf %max3A_456, %get3A_418 : vector<16xf32>
      %max3A_458 = arith.maximumf %max3A_457, %get3A_423 : vector<16xf32>
      %max3A_459 = arith.maximumf %max3A_458, %get3A_428 : vector<16xf32>
      %max3A_460 = arith.maximumf %max3A_459, %get3A_433 : vector<16xf32>
      %max3A_461 = arith.maximumf %max3A_460, %get3A_438 : vector<16xf32>
      %max3A_462 = arith.maximumf %max3A_461, %get3A_443 : vector<16xf32>
      %max3A_463 = arith.maximumf %max3A_462, %get3A_448 : vector<16xf32>
      %xor3A_464 = arith.constant 1 : i32
      %xor3A_465 = vector.broadcast %xor3A_464 : i32 to vector<16xi32>
      %xor3A_466 = arith.xori %iota3A, %xor3A_465 : vector<16xi32>
      %lt3A_467 = arith.constant 0 : i32
      %lt3A_468 = vector.broadcast %lt3A_467 : i32 to vector<16xi32>
      %lt3A_469 = arith.cmpi slt, %xor3A_466, %lt3A_468 : vector<16xi32>
      %add3A_470 = arith.constant 16 : i32
      %add3A_471 = vector.broadcast %add3A_470 : i32 to vector<16xi32>
      %add3A_472 = arith.addi %xor3A_466, %add3A_471 : vector<16xi32>
      %select_n3A_473 = arith.select %lt3A_469, %add3A_472, %xor3A_466 : vector<16xi1>, vector<16xi32>
      %broadcast_in_dim3A_474 = vector.shape_cast %select_n3A_473 : vector<16xi32> to vector<16x1xi32>
      %gather3A_475 = vector.shape_cast %broadcast_in_dim3A_474 : vector<16x1xi32> to vector<16xi32>
      %gather3A_476 = tpu.dynamic_gather %max3A_463[%gather3A_475] in [0] : vector<16xf32>, vector<16xi32> -> vector<16xf32>
      %max3A_477 = arith.maximumf %max3A_463, %gather3A_476 : vector<16xf32>
      %xor3A_478 = arith.constant 2 : i32
      %xor3A_479 = vector.broadcast %xor3A_478 : i32 to vector<16xi32>
      %xor3A_480 = arith.xori %iota3A, %xor3A_479 : vector<16xi32>
      %lt3A_481 = arith.constant 0 : i32
      %lt3A_482 = vector.broadcast %lt3A_481 : i32 to vector<16xi32>
      %lt3A_483 = arith.cmpi slt, %xor3A_480, %lt3A_482 : vector<16xi32>
      %add3A_484 = arith.constant 16 : i32
      %add3A_485 = vector.broadcast %add3A_484 : i32 to vector<16xi32>
      %add3A_486 = arith.addi %xor3A_480, %add3A_485 : vector<16xi32>
      %select_n3A_487 = arith.select %lt3A_483, %add3A_486, %xor3A_480 : vector<16xi1>, vector<16xi32>
      %broadcast_in_dim3A_488 = vector.shape_cast %select_n3A_487 : vector<16xi32> to vector<16x1xi32>
      %gather3A_489 = vector.shape_cast %broadcast_in_dim3A_488 : vector<16x1xi32> to vector<16xi32>
      %gather3A_490 = tpu.dynamic_gather %max3A_477[%gather3A_489] in [0] : vector<16xf32>, vector<16xi32> -> vector<16xf32>
      %max3A_491 = arith.maximumf %max3A_477, %gather3A_490 : vector<16xf32>
      %xor3A_492 = arith.constant 4 : i32
      %xor3A_493 = vector.broadcast %xor3A_492 : i32 to vector<16xi32>
      %xor3A_494 = arith.xori %iota3A, %xor3A_493 : vector<16xi32>
      %lt3A_495 = arith.constant 0 : i32
      %lt3A_496 = vector.broadcast %lt3A_495 : i32 to vector<16xi32>
      %lt3A_497 = arith.cmpi slt, %xor3A_494, %lt3A_496 : vector<16xi32>
      %add3A_498 = arith.constant 16 : i32
      %add3A_499 = vector.broadcast %add3A_498 : i32 to vector<16xi32>
      %add3A_500 = arith.addi %xor3A_494, %add3A_499 : vector<16xi32>
      %select_n3A_501 = arith.select %lt3A_497, %add3A_500, %xor3A_494 : vector<16xi1>, vector<16xi32>
      %broadcast_in_dim3A_502 = vector.shape_cast %select_n3A_501 : vector<16xi32> to vector<16x1xi32>
      %gather3A_503 = vector.shape_cast %broadcast_in_dim3A_502 : vector<16x1xi32> to vector<16xi32>
      %gather3A_504 = tpu.dynamic_gather %max3A_491[%gather3A_503] in [0] : vector<16xf32>, vector<16xi32> -> vector<16xf32>
      %max3A_505 = arith.maximumf %max3A_491, %gather3A_504 : vector<16xf32>
      %xor3A_506 = arith.constant 8 : i32
      %xor3A_507 = vector.broadcast %xor3A_506 : i32 to vector<16xi32>
      %xor3A_508 = arith.xori %iota3A, %xor3A_507 : vector<16xi32>
      %lt3A_509 = arith.constant 0 : i32
      %lt3A_510 = vector.broadcast %lt3A_509 : i32 to vector<16xi32>
      %lt3A_511 = arith.cmpi slt, %xor3A_508, %lt3A_510 : vector<16xi32>
      %add3A_512 = arith.constant 16 : i32
      %add3A_513 = vector.broadcast %add3A_512 : i32 to vector<16xi32>
      %add3A_514 = arith.addi %xor3A_508, %add3A_513 : vector<16xi32>
      %select_n3A_515 = arith.select %lt3A_511, %add3A_514, %xor3A_508 : vector<16xi1>, vector<16xi32>
      %broadcast_in_dim3A_516 = vector.shape_cast %select_n3A_515 : vector<16xi32> to vector<16x1xi32>
      %gather3A_517 = vector.shape_cast %broadcast_in_dim3A_516 : vector<16x1xi32> to vector<16xi32>
      %gather3A_518 = tpu.dynamic_gather %max3A_505[%gather3A_517] in [0] : vector<16xf32>, vector<16xi32> -> vector<16xf32>
      %max3A_519 = arith.maximumf %max3A_505, %gather3A_518 : vector<16xf32>
      %sub3A_520 = arith.subf %get3A_373, %max3A_519 : vector<16xf32>
      %exp3A_521 = math.exp %sub3A_520 : vector<16xf32>
      %add3A_522 = arith.constant 0 : i32
      %add3A_523 = arith.addi %mul3A_368, %add3A_522 : i32
      %swap3A_524 = arith.index_cast %add3A_523 : i32 to index
      %swap3A_525 = tpu.vector_load %arg4[%swap3A_524] {strides = array<i32>} : memref<8192xf32, #tpu.memory_space<vmem>>, vector<16xf32>,
      %swap3A_526 = vector.shape_cast %swap3A_525 : vector<16xf32> to vector<16xf32>
      %swap3A_527 = vector.shape_cast %exp3A_521 : vector<16xf32> to vector<16xf32>
      tpu.vector_store %arg4[%swap3A_524], %swap3A_527 {strides = array<i32>} : memref<8192xf32, #tpu.memory_space<vmem>>, vector<16xf32>,
      %sub3A_528 = arith.subf %get3A_378, %max3A_519 : vector<16xf32>
      %exp3A_529 = math.exp %sub3A_528 : vector<16xf32>
      %add3A_530 = arith.constant 16 : i32
      %add3A_531 = arith.addi %mul3A_368, %add3A_530 : i32
      %swap3A_532 = arith.index_cast %add3A_531 : i32 to index
      %swap3A_533 = tpu.vector_load %arg4[%swap3A_532] {strides = array<i32>} : memref<8192xf32, #tpu.memory_space<vmem>>, vector<16xf32>,
      %swap3A_534 = vector.shape_cast %swap3A_533 : vector<16xf32> to vector<16xf32>
      %swap3A_535 = vector.shape_cast %exp3A_529 : vector<16xf32> to vector<16xf32>
      tpu.vector_store %arg4[%swap3A_532], %swap3A_535 {strides = array<i32>} : memref<8192xf32, #tpu.memory_space<vmem>>, vector<16xf32>,
      %add3A_536 = arith.addf %exp3A_521, %exp3A_529 : vector<16xf32>
      %sub3A_537 = arith.subf %get3A_383, %max3A_519 : vector<16xf32>
      %exp3A_538 = math.exp %sub3A_537 : vector<16xf32>
      %add3A_539 = arith.constant 32 : i32
      %add3A_540 = arith.addi %mul3A_368, %add3A_539 : i32
      %swap3A_541 = arith.index_cast %add3A_540 : i32 to index
      %swap3A_542 = tpu.vector_load %arg4[%swap3A_541] {strides = array<i32>} : memref<8192xf32, #tpu.memory_space<vmem>>, vector<16xf32>,
      %swap3A_543 = vector.shape_cast %swap3A_542 : vector<16xf32> to vector<16xf32>
      %swap3A_544 = vector.shape_cast %exp3A_538 : vector<16xf32> to vector<16xf32>
      tpu.vector_store %arg4[%swap3A_541], %swap3A_544 {strides = array<i32>} : memref<8192xf32, #tpu.memory_space<vmem>>, vector<16xf32>,
      %add3A_545 = arith.addf %add3A_536, %exp3A_538 : vector<16xf32>
      %sub3A_546 = arith.subf %get3A_388, %max3A_519 : vector<16xf32>
      %exp3A_547 = math.exp %sub3A_546 : vector<16xf32>
      %add3A_548 = arith.constant 48 : i32
      %add3A_549 = arith.addi %mul3A_368, %add3A_548 : i32
      %swap3A_550 = arith.index_cast %add3A_549 : i32 to index
      %swap3A_551 = tpu.vector_load %arg4[%swap3A_550] {strides = array<i32>} : memref<8192xf32, #tpu.memory_space<vmem>>, vector<16xf32>,
      %swap3A_552 = vector.shape_cast %swap3A_551 : vector<16xf32> to vector<16xf32>
      %swap3A_553 = vector.shape_cast %exp3A_547 : vector<16xf32> to vector<16xf32>
      tpu.vector_store %arg4[%swap3A_550], %swap3A_553 {strides = array<i32>} : memref<8192xf32, #tpu.memory_space<vmem>>, vector<16xf32>,
      %add3A_554 = arith.addf %add3A_545, %exp3A_547 : vector<16xf32>
      %sub3A_555 = arith.subf %get3A_393, %max3A_519 : vector<16xf32>
      %exp3A_556 = math.exp %sub3A_555 : vector<16xf32>
      %add3A_557 = arith.constant 64 : i32
      %add3A_558 = arith.addi %mul3A_368, %add3A_557 : i32
      %swap3A_559 = arith.index_cast %add3A_558 : i32 to index
      %swap3A_560 = tpu.vector_load %arg4[%swap3A_559] {strides = array<i32>} : memref<8192xf32, #tpu.memory_space<vmem>>, vector<16xf32>,
      %swap3A_561 = vector.shape_cast %swap3A_560 : vector<16xf32> to vector<16xf32>
      %swap3A_562 = vector.shape_cast %exp3A_556 : vector<16xf32> to vector<16xf32>
      tpu.vector_store %arg4[%swap3A_559], %swap3A_562 {strides = array<i32>} : memref<8192xf32, #tpu.memory_space<vmem>>, vector<16xf32>,
      %add3A_563 = arith.addf %add3A_554, %exp3A_556 : vector<16xf32>
      %sub3A_564 = arith.subf %get3A_398, %max3A_519 : vector<16xf32>
      %exp3A_565 = math.exp %sub3A_564 : vector<16xf32>
      %add3A_566 = arith.constant 80 : i32
      %add3A_567 = arith.addi %mul3A_368, %add3A_566 : i32
      %swap3A_568 = arith.index_cast %add3A_567 : i32 to index
      %swap3A_569 = tpu.vector_load %arg4[%swap3A_568] {strides = array<i32>} : memref<8192xf32, #tpu.memory_space<vmem>>, vector<16xf32>,
      %swap3A_570 = vector.shape_cast %swap3A_569 : vector<16xf32> to vector<16xf32>
      %swap3A_571 = vector.shape_cast %exp3A_565 : vector<16xf32> to vector<16xf32>
      tpu.vector_store %arg4[%swap3A_568], %swap3A_571 {strides = array<i32>} : memref<8192xf32, #tpu.memory_space<vmem>>, vector<16xf32>,
      %add3A_572 = arith.addf %add3A_563, %exp3A_565 : vector<16xf32>
      %sub3A_573 = arith.subf %get3A_403, %max3A_519 : vector<16xf32>
      %exp3A_574 = math.exp %sub3A_573 : vector<16xf32>
      %add3A_575 = arith.constant 96 : i32
      %add3A_576 = arith.addi %mul3A_368, %add3A_575 : i32
      %swap3A_577 = arith.index_cast %add3A_576 : i32 to index
      %swap3A_578 = tpu.vector_load %arg4[%swap3A_577] {strides = array<i32>} : memref<8192xf32, #tpu.memory_space<vmem>>, vector<16xf32>,
      %swap3A_579 = vector.shape_cast %swap3A_578 : vector<16xf32> to vector<16xf32>
      %swap3A_580 = vector.shape_cast %exp3A_574 : vector<16xf32> to vector<16xf32>
      tpu.vector_store %arg4[%swap3A_577], %swap3A_580 {strides = array<i32>} : memref<8192xf32, #tpu.memory_space<vmem>>, vector<16xf32>,
      %add3A_581 = arith.addf %add3A_572, %exp3A_574 : vector<16xf32>
      %sub3A_582 = arith.subf %get3A_408, %max3A_519 : vector<16xf32>
      %exp3A_583 = math.exp %sub3A_582 : vector<16xf32>
      %add3A_584 = arith.constant 112 : i32
      %add3A_585 = arith.addi %mul3A_368, %add3A_584 : i32
      %swap3A_586 = arith.index_cast %add3A_585 : i32 to index
      %swap3A_587 = tpu.vector_load %arg4[%swap3A_586] {strides = array<i32>} : memref<8192xf32, #tpu.memory_space<vmem>>, vector<16xf32>,
      %swap3A_588 = vector.shape_cast %swap3A_587 : vector<16xf32> to vector<16xf32>
      %swap3A_589 = vector.shape_cast %exp3A_583 : vector<16xf32> to vector<16xf32>
      tpu.vector_store %arg4[%swap3A_586], %swap3A_589 {strides = array<i32>} : memref<8192xf32, #tpu.memory_space<vmem>>, vector<16xf32>,
      %add3A_590 = arith.addf %add3A_581, %exp3A_583 : vector<16xf32>
      %sub3A_591 = arith.subf %get3A_413, %max3A_519 : vector<16xf32>
      %exp3A_592 = math.exp %sub3A_591 : vector<16xf32>
      %add3A_593 = arith.constant 128 : i32
      %add3A_594 = arith.addi %mul3A_368, %add3A_593 : i32
      %swap3A_595 = arith.index_cast %add3A_594 : i32 to index
      %swap3A_596 = tpu.vector_load %arg4[%swap3A_595] {strides = array<i32>} : memref<8192xf32, #tpu.memory_space<vmem>>, vector<16xf32>,
      %swap3A_597 = vector.shape_cast %swap3A_596 : vector<16xf32> to vector<16xf32>
      %swap3A_598 = vector.shape_cast %exp3A_592 : vector<16xf32> to vector<16xf32>
      tpu.vector_store %arg4[%swap3A_595], %swap3A_598 {strides = array<i32>} : memref<8192xf32, #tpu.memory_space<vmem>>, vector<16xf32>,
      %add3A_599 = arith.addf %add3A_590, %exp3A_592 : vector<16xf32>
      %sub3A_600 = arith.subf %get3A_418, %max3A_519 : vector<16xf32>
      %exp3A_601 = math.exp %sub3A_600 : vector<16xf32>
      %add3A_602 = arith.constant 144 : i32
      %add3A_603 = arith.addi %mul3A_368, %add3A_602 : i32
      %swap3A_604 = arith.index_cast %add3A_603 : i32 to index
      %swap3A_605 = tpu.vector_load %arg4[%swap3A_604] {strides = array<i32>} : memref<8192xf32, #tpu.memory_space<vmem>>, vector<16xf32>,
      %swap3A_606 = vector.shape_cast %swap3A_605 : vector<16xf32> to vector<16xf32>
      %swap3A_607 = vector.shape_cast %exp3A_601 : vector<16xf32> to vector<16xf32>
      tpu.vector_store %arg4[%swap3A_604], %swap3A_607 {strides = array<i32>} : memref<8192xf32, #tpu.memory_space<vmem>>, vector<16xf32>,
      %add3A_608 = arith.addf %add3A_599, %exp3A_601 : vector<16xf32>
      %sub3A_609 = arith.subf %get3A_423, %max3A_519 : vector<16xf32>
      %exp3A_610 = math.exp %sub3A_609 : vector<16xf32>
      %add3A_611 = arith.constant 160 : i32
      %add3A_612 = arith.addi %mul3A_368, %add3A_611 : i32
      %swap3A_613 = arith.index_cast %add3A_612 : i32 to index
      %swap3A_614 = tpu.vector_load %arg4[%swap3A_613] {strides = array<i32>} : memref<8192xf32, #tpu.memory_space<vmem>>, vector<16xf32>,
      %swap3A_615 = vector.shape_cast %swap3A_614 : vector<16xf32> to vector<16xf32>
      %swap3A_616 = vector.shape_cast %exp3A_610 : vector<16xf32> to vector<16xf32>
      tpu.vector_store %arg4[%swap3A_613], %swap3A_616 {strides = array<i32>} : memref<8192xf32, #tpu.memory_space<vmem>>, vector<16xf32>,
      %add3A_617 = arith.addf %add3A_608, %exp3A_610 : vector<16xf32>
      %sub3A_618 = arith.subf %get3A_428, %max3A_519 : vector<16xf32>
      %exp3A_619 = math.exp %sub3A_618 : vector<16xf32>
      %add3A_620 = arith.constant 176 : i32
      %add3A_621 = arith.addi %mul3A_368, %add3A_620 : i32
      %swap3A_622 = arith.index_cast %add3A_621 : i32 to index
      %swap3A_623 = tpu.vector_load %arg4[%swap3A_622] {strides = array<i32>} : memref<8192xf32, #tpu.memory_space<vmem>>, vector<16xf32>,
      %swap3A_624 = vector.shape_cast %swap3A_623 : vector<16xf32> to vector<16xf32>
      %swap3A_625 = vector.shape_cast %exp3A_619 : vector<16xf32> to vector<16xf32>
      tpu.vector_store %arg4[%swap3A_622], %swap3A_625 {strides = array<i32>} : memref<8192xf32, #tpu.memory_space<vmem>>, vector<16xf32>,
      %add3A_626 = arith.addf %add3A_617, %exp3A_619 : vector<16xf32>
      %sub3A_627 = arith.subf %get3A_433, %max3A_519 : vector<16xf32>
      %exp3A_628 = math.exp %sub3A_627 : vector<16xf32>
      %add3A_629 = arith.constant 192 : i32
      %add3A_630 = arith.addi %mul3A_368, %add3A_629 : i32
      %swap3A_631 = arith.index_cast %add3A_630 : i32 to index
      %swap3A_632 = tpu.vector_load %arg4[%swap3A_631] {strides = array<i32>} : memref<8192xf32, #tpu.memory_space<vmem>>, vector<16xf32>,
      %swap3A_633 = vector.shape_cast %swap3A_632 : vector<16xf32> to vector<16xf32>
      %swap3A_634 = vector.shape_cast %exp3A_628 : vector<16xf32> to vector<16xf32>
      tpu.vector_store %arg4[%swap3A_631], %swap3A_634 {strides = array<i32>} : memref<8192xf32, #tpu.memory_space<vmem>>, vector<16xf32>,
      %add3A_635 = arith.addf %add3A_626, %exp3A_628 : vector<16xf32>
      %sub3A_636 = arith.subf %get3A_438, %max3A_519 : vector<16xf32>
      %exp3A_637 = math.exp %sub3A_636 : vector<16xf32>
      %add3A_638 = arith.constant 208 : i32
      %add3A_639 = arith.addi %mul3A_368, %add3A_638 : i32
      %swap3A_640 = arith.index_cast %add3A_639 : i32 to index
      %swap3A_641 = tpu.vector_load %arg4[%swap3A_640] {strides = array<i32>} : memref<8192xf32, #tpu.memory_space<vmem>>, vector<16xf32>,
      %swap3A_642 = vector.shape_cast %swap3A_641 : vector<16xf32> to vector<16xf32>
      %swap3A_643 = vector.shape_cast %exp3A_637 : vector<16xf32> to vector<16xf32>
      tpu.vector_store %arg4[%swap3A_640], %swap3A_643 {strides = array<i32>} : memref<8192xf32, #tpu.memory_space<vmem>>, vector<16xf32>,
      %add3A_644 = arith.addf %add3A_635, %exp3A_637 : vector<16xf32>
      %sub3A_645 = arith.subf %get3A_443, %max3A_519 : vector<16xf32>
      %exp3A_646 = math.exp %sub3A_645 : vector<16xf32>
      %add3A_647 = arith.constant 224 : i32
      %add3A_648 = arith.addi %mul3A_368, %add3A_647 : i32
      %swap3A_649 = arith.index_cast %add3A_648 : i32 to index
      %swap3A_650 = tpu.vector_load %arg4[%swap3A_649] {strides = array<i32>} : memref<8192xf32, #tpu.memory_space<vmem>>, vector<16xf32>,
      %swap3A_651 = vector.shape_cast %swap3A_650 : vector<16xf32> to vector<16xf32>
      %swap3A_652 = vector.shape_cast %exp3A_646 : vector<16xf32> to vector<16xf32>
      tpu.vector_store %arg4[%swap3A_649], %swap3A_652 {strides = array<i32>} : memref<8192xf32, #tpu.memory_space<vmem>>, vector<16xf32>,
      %add3A_653 = arith.addf %add3A_644, %exp3A_646 : vector<16xf32>
      %sub3A_654 = arith.subf %get3A_448, %max3A_519 : vector<16xf32>
      %exp3A_655 = math.exp %sub3A_654 : vector<16xf32>
      %add3A_656 = arith.constant 240 : i32
      %add3A_657 = arith.addi %mul3A_368, %add3A_656 : i32
      %swap3A_658 = arith.index_cast %add3A_657 : i32 to index
      %swap3A_659 = tpu.vector_load %arg4[%swap3A_658] {strides = array<i32>} : memref<8192xf32, #tpu.memory_space<vmem>>, vector<16xf32>,
      %swap3A_660 = vector.shape_cast %swap3A_659 : vector<16xf32> to vector<16xf32>
      %swap3A_661 = vector.shape_cast %exp3A_655 : vector<16xf32> to vector<16xf32>
      tpu.vector_store %arg4[%swap3A_658], %swap3A_661 {strides = array<i32>} : memref<8192xf32, #tpu.memory_space<vmem>>, vector<16xf32>,
      %add3A_662 = arith.addf %add3A_653, %exp3A_655 : vector<16xf32>
      %xor3A_663 = arith.constant 1 : i32
      %xor3A_664 = vector.broadcast %xor3A_663 : i32 to vector<16xi32>
      %xor3A_665 = arith.xori %iota3A, %xor3A_664 : vector<16xi32>
      %lt3A_666 = arith.constant 0 : i32
      %lt3A_667 = vector.broadcast %lt3A_666 : i32 to vector<16xi32>
      %lt3A_668 = arith.cmpi slt, %xor3A_665, %lt3A_667 : vector<16xi32>
      %add3A_669 = arith.constant 16 : i32
      %add3A_670 = vector.broadcast %add3A_669 : i32 to vector<16xi32>
      %add3A_671 = arith.addi %xor3A_665, %add3A_670 : vector<16xi32>
      %select_n3A_672 = arith.select %lt3A_668, %add3A_671, %xor3A_665 : vector<16xi1>, vector<16xi32>
      %broadcast_in_dim3A_673 = vector.shape_cast %select_n3A_672 : vector<16xi32> to vector<16x1xi32>
      %gather3A_674 = vector.shape_cast %broadcast_in_dim3A_673 : vector<16x1xi32> to vector<16xi32>
      %gather3A_675 = tpu.dynamic_gather %add3A_662[%gather3A_674] in [0] : vector<16xf32>, vector<16xi32> -> vector<16xf32>
      %add3A_676 = arith.addf %add3A_662, %gather3A_675 : vector<16xf32>
      %xor3A_677 = arith.constant 2 : i32
      %xor3A_678 = vector.broadcast %xor3A_677 : i32 to vector<16xi32>
      %xor3A_679 = arith.xori %iota3A, %xor3A_678 : vector<16xi32>
      %lt3A_680 = arith.constant 0 : i32
      %lt3A_681 = vector.broadcast %lt3A_680 : i32 to vector<16xi32>
      %lt3A_682 = arith.cmpi slt, %xor3A_679, %lt3A_681 : vector<16xi32>
      %add3A_683 = arith.constant 16 : i32
      %add3A_684 = vector.broadcast %add3A_683 : i32 to vector<16xi32>
      %add3A_685 = arith.addi %xor3A_679, %add3A_684 : vector<16xi32>
      %select_n3A_686 = arith.select %lt3A_682, %add3A_685, %xor3A_679 : vector<16xi1>, vector<16xi32>
      %broadcast_in_dim3A_687 = vector.shape_cast %select_n3A_686 : vector<16xi32> to vector<16x1xi32>
      %gather3A_688 = vector.shape_cast %broadcast_in_dim3A_687 : vector<16x1xi32> to vector<16xi32>
      %gather3A_689 = tpu.dynamic_gather %add3A_676[%gather3A_688] in [0] : vector<16xf32>, vector<16xi32> -> vector<16xf32>
      %add3A_690 = arith.addf %add3A_676, %gather3A_689 : vector<16xf32>
      %xor3A_691 = arith.constant 4 : i32
      %xor3A_692 = vector.broadcast %xor3A_691 : i32 to vector<16xi32>
      %xor3A_693 = arith.xori %iota3A, %xor3A_692 : vector<16xi32>
      %lt3A_694 = arith.constant 0 : i32
      %lt3A_695 = vector.broadcast %lt3A_694 : i32 to vector<16xi32>
      %lt3A_696 = arith.cmpi slt, %xor3A_693, %lt3A_695 : vector<16xi32>
      %add3A_697 = arith.constant 16 : i32
      %add3A_698 = vector.broadcast %add3A_697 : i32 to vector<16xi32>
      %add3A_699 = arith.addi %xor3A_693, %add3A_698 : vector<16xi32>
      %select_n3A_700 = arith.select %lt3A_696, %add3A_699, %xor3A_693 : vector<16xi1>, vector<16xi32>
      %broadcast_in_dim3A_701 = vector.shape_cast %select_n3A_700 : vector<16xi32> to vector<16x1xi32>
      %gather3A_702 = vector.shape_cast %broadcast_in_dim3A_701 : vector<16x1xi32> to vector<16xi32>
      %gather3A_703 = tpu.dynamic_gather %add3A_690[%gather3A_702] in [0] : vector<16xf32>, vector<16xi32> -> vector<16xf32>
      %add3A_704 = arith.addf %add3A_690, %gather3A_703 : vector<16xf32>
      %xor3A_705 = arith.constant 8 : i32
      %xor3A_706 = vector.broadcast %xor3A_705 : i32 to vector<16xi32>
      %xor3A_707 = arith.xori %iota3A, %xor3A_706 : vector<16xi32>
      %lt3A_708 = arith.constant 0 : i32
      %lt3A_709 = vector.broadcast %lt3A_708 : i32 to vector<16xi32>
      %lt3A_710 = arith.cmpi slt, %xor3A_707, %lt3A_709 : vector<16xi32>
      %add3A_711 = arith.constant 16 : i32
      %add3A_712 = vector.broadcast %add3A_711 : i32 to vector<16xi32>
      %add3A_713 = arith.addi %xor3A_707, %add3A_712 : vector<16xi32>
      %select_n3A_714 = arith.select %lt3A_710, %add3A_713, %xor3A_707 : vector<16xi1>, vector<16xi32>
      %broadcast_in_dim3A_715 = vector.shape_cast %select_n3A_714 : vector<16xi32> to vector<16x1xi32>
      %gather3A_716 = vector.shape_cast %broadcast_in_dim3A_715 : vector<16x1xi32> to vector<16xi32>
      %gather3A_717 = tpu.dynamic_gather %add3A_704[%gather3A_716] in [0] : vector<16xf32>, vector<16xi32> -> vector<16xf32>
      %add3A_718 = arith.addf %add3A_704, %gather3A_717 : vector<16xf32>
      %div3A_719 = arith.constant 1.000000e+00 : f32
      %div3A_720 = vector.broadcast %div3A_719 : f32 to vector<16xf32>
      %div3A_721 = arith.divf %div3A_720, %add3A_718 : vector<16xf32>
      %mul3A_722 = arith.constant 16 : i32
      %mul3A_723 = arith.muli %scan3A_366, %mul3A_722 : i32
      %swap3A_724 = arith.index_cast %mul3A_723 : i32 to index
      %swap3A_725 = tpu.vector_load %arg5[%swap3A_724] {strides = array<i32>} : memref<512xf32, #tpu.memory_space<vmem>>, vector<16xf32>,
      %swap3A_726 = vector.shape_cast %swap3A_725 : vector<16xf32> to vector<16xf32>
      %swap3A_727 = vector.shape_cast %div3A_721 : vector<16xf32> to vector<16xf32>
      tpu.vector_store %arg5[%swap3A_724], %swap3A_727 {strides = array<i32>} : memref<512xf32, #tpu.memory_space<vmem>>, vector<16xf32>,
    }
    %scan3A_7 = arith.constant 32 : i32
    %scan3A_8 = arith.constant 0 : i32
    %scan3A_9 = arith.constant 0 : i32
    %scan3A_10 = arith.constant 32 : i32
    %scan3A_11 = arith.addi %scan3A_9, %scan3A_10 : i32
    %scan3A_12 = arith.constant 4 : i32
    scf.for %scan3A_14 = %scan3A_9 to %scan3A_11 step %scan3A_12  : i32 {
      %mul3A_15 = arith.constant 256 : i32
      %mul3A_16 = arith.muli %scan3A_14, %mul3A_15 : i32
      %mul3A_17 = arith.constant 16 : i32
      %mul3A_18 = arith.muli %scan3A_14, %mul3A_17 : i32
      %get3A = arith.index_cast %mul3A_18 : i32 to index
      %get3A_19 = tpu.vector_load %arg5[%get3A] {strides = array<i32>} : memref<512xf32, #tpu.memory_space<vmem>>, vector<16xf32>,
      %get3A_20 = vector.shape_cast %get3A_19 : vector<16xf32> to vector<16xf32>
      %add3A_21 = arith.constant 0 : i32
      %add3A_22 = arith.addi %mul3A_16, %add3A_21 : i32
      %get3A_23 = arith.index_cast %add3A_22 : i32 to index
      %get3A_24 = tpu.vector_load %arg4[%get3A_23] {strides = array<i32>} : memref<8192xf32, #tpu.memory_space<vmem>>, vector<16xf32>,
      %get3A_25 = vector.shape_cast %get3A_24 : vector<16xf32> to vector<16xf32>
      %mul3A_26 = arith.mulf %get3A_25, %get3A_20 : vector<16xf32>
      %swap3A = arith.index_cast %add3A_22 : i32 to index
      %swap3A_27 = tpu.vector_load %arg4[%swap3A] {strides = array<i32>} : memref<8192xf32, #tpu.memory_space<vmem>>, vector<16xf32>,
      %swap3A_28 = vector.shape_cast %swap3A_27 : vector<16xf32> to vector<16xf32>
      %swap3A_29 = vector.shape_cast %mul3A_26 : vector<16xf32> to vector<16xf32>
      tpu.vector_store %arg4[%swap3A], %swap3A_29 {strides = array<i32>} : memref<8192xf32, #tpu.memory_space<vmem>>, vector<16xf32>,
      %add3A_30 = arith.constant 16 : i32
      %add3A_31 = arith.addi %mul3A_16, %add3A_30 : i32
      %get3A_32 = arith.index_cast %add3A_31 : i32 to index
      %get3A_33 = tpu.vector_load %arg4[%get3A_32] {strides = array<i32>} : memref<8192xf32, #tpu.memory_space<vmem>>, vector<16xf32>,
      %get3A_34 = vector.shape_cast %get3A_33 : vector<16xf32> to vector<16xf32>
      %mul3A_35 = arith.mulf %get3A_34, %get3A_20 : vector<16xf32>
      %swap3A_36 = arith.index_cast %add3A_31 : i32 to index
      %swap3A_37 = tpu.vector_load %arg4[%swap3A_36] {strides = array<i32>} : memref<8192xf32, #tpu.memory_space<vmem>>, vector<16xf32>,
      %swap3A_38 = vector.shape_cast %swap3A_37 : vector<16xf32> to vector<16xf32>
      %swap3A_39 = vector.shape_cast %mul3A_35 : vector<16xf32> to vector<16xf32>
      tpu.vector_store %arg4[%swap3A_36], %swap3A_39 {strides = array<i32>} : memref<8192xf32, #tpu.memory_space<vmem>>, vector<16xf32>,
      %add3A_40 = arith.constant 32 : i32
      %add3A_41 = arith.addi %mul3A_16, %add3A_40 : i32
      %get3A_42 = arith.index_cast %add3A_41 : i32 to index
      %get3A_43 = tpu.vector_load %arg4[%get3A_42] {strides = array<i32>} : memref<8192xf32, #tpu.memory_space<vmem>>, vector<16xf32>,
      %get3A_44 = vector.shape_cast %get3A_43 : vector<16xf32> to vector<16xf32>
      %mul3A_45 = arith.mulf %get3A_44, %get3A_20 : vector<16xf32>
      %swap3A_46 = arith.index_cast %add3A_41 : i32 to index
      %swap3A_47 = tpu.vector_load %arg4[%swap3A_46] {strides = array<i32>} : memref<8192xf32, #tpu.memory_space<vmem>>, vector<16xf32>,
      %swap3A_48 = vector.shape_cast %swap3A_47 : vector<16xf32> to vector<16xf32>
      %swap3A_49 = vector.shape_cast %mul3A_45 : vector<16xf32> to vector<16xf32>
      tpu.vector_store %arg4[%swap3A_46], %swap3A_49 {strides = array<i32>} : memref<8192xf32, #tpu.memory_space<vmem>>, vector<16xf32>,
      %add3A_50 = arith.constant 48 : i32
      %add3A_51 = arith.addi %mul3A_16, %add3A_50 : i32
      %get3A_52 = arith.index_cast %add3A_51 : i32 to index
      %get3A_53 = tpu.vector_load %arg4[%get3A_52] {strides = array<i32>} : memref<8192xf32, #tpu.memory_space<vmem>>, vector<16xf32>,
      %get3A_54 = vector.shape_cast %get3A_53 : vector<16xf32> to vector<16xf32>
      %mul3A_55 = arith.mulf %get3A_54, %get3A_20 : vector<16xf32>
      %swap3A_56 = arith.index_cast %add3A_51 : i32 to index
      %swap3A_57 = tpu.vector_load %arg4[%swap3A_56] {strides = array<i32>} : memref<8192xf32, #tpu.memory_space<vmem>>, vector<16xf32>,
      %swap3A_58 = vector.shape_cast %swap3A_57 : vector<16xf32> to vector<16xf32>
      %swap3A_59 = vector.shape_cast %mul3A_55 : vector<16xf32> to vector<16xf32>
      tpu.vector_store %arg4[%swap3A_56], %swap3A_59 {strides = array<i32>} : memref<8192xf32, #tpu.memory_space<vmem>>, vector<16xf32>,
      %add3A_60 = arith.constant 64 : i32
      %add3A_61 = arith.addi %mul3A_16, %add3A_60 : i32
      %get3A_62 = arith.index_cast %add3A_61 : i32 to index
      %get3A_63 = tpu.vector_load %arg4[%get3A_62] {strides = array<i32>} : memref<8192xf32, #tpu.memory_space<vmem>>, vector<16xf32>,
      %get3A_64 = vector.shape_cast %get3A_63 : vector<16xf32> to vector<16xf32>
      %mul3A_65 = arith.mulf %get3A_64, %get3A_20 : vector<16xf32>
      %swap3A_66 = arith.index_cast %add3A_61 : i32 to index
      %swap3A_67 = tpu.vector_load %arg4[%swap3A_66] {strides = array<i32>} : memref<8192xf32, #tpu.memory_space<vmem>>, vector<16xf32>,
      %swap3A_68 = vector.shape_cast %swap3A_67 : vector<16xf32> to vector<16xf32>
      %swap3A_69 = vector.shape_cast %mul3A_65 : vector<16xf32> to vector<16xf32>
      tpu.vector_store %arg4[%swap3A_66], %swap3A_69 {strides = array<i32>} : memref<8192xf32, #tpu.memory_space<vmem>>, vector<16xf32>,
      %add3A_70 = arith.constant 80 : i32
      %add3A_71 = arith.addi %mul3A_16, %add3A_70 : i32
      %get3A_72 = arith.index_cast %add3A_71 : i32 to index
      %get3A_73 = tpu.vector_load %arg4[%get3A_72] {strides = array<i32>} : memref<8192xf32, #tpu.memory_space<vmem>>, vector<16xf32>,
      %get3A_74 = vector.shape_cast %get3A_73 : vector<16xf32> to vector<16xf32>
      %mul3A_75 = arith.mulf %get3A_74, %get3A_20 : vector<16xf32>
      %swap3A_76 = arith.index_cast %add3A_71 : i32 to index
      %swap3A_77 = tpu.vector_load %arg4[%swap3A_76] {strides = array<i32>} : memref<8192xf32, #tpu.memory_space<vmem>>, vector<16xf32>,
      %swap3A_78 = vector.shape_cast %swap3A_77 : vector<16xf32> to vector<16xf32>
      %swap3A_79 = vector.shape_cast %mul3A_75 : vector<16xf32> to vector<16xf32>
      tpu.vector_store %arg4[%swap3A_76], %swap3A_79 {strides = array<i32>} : memref<8192xf32, #tpu.memory_space<vmem>>, vector<16xf32>,
      %add3A_80 = arith.constant 96 : i32
      %add3A_81 = arith.addi %mul3A_16, %add3A_80 : i32
      %get3A_82 = arith.index_cast %add3A_81 : i32 to index
      %get3A_83 = tpu.vector_load %arg4[%get3A_82] {strides = array<i32>} : memref<8192xf32, #tpu.memory_space<vmem>>, vector<16xf32>,
      %get3A_84 = vector.shape_cast %get3A_83 : vector<16xf32> to vector<16xf32>
      %mul3A_85 = arith.mulf %get3A_84, %get3A_20 : vector<16xf32>
      %swap3A_86 = arith.index_cast %add3A_81 : i32 to index
      %swap3A_87 = tpu.vector_load %arg4[%swap3A_86] {strides = array<i32>} : memref<8192xf32, #tpu.memory_space<vmem>>, vector<16xf32>,
      %swap3A_88 = vector.shape_cast %swap3A_87 : vector<16xf32> to vector<16xf32>
      %swap3A_89 = vector.shape_cast %mul3A_85 : vector<16xf32> to vector<16xf32>
      tpu.vector_store %arg4[%swap3A_86], %swap3A_89 {strides = array<i32>} : memref<8192xf32, #tpu.memory_space<vmem>>, vector<16xf32>,
      %add3A_90 = arith.constant 112 : i32
      %add3A_91 = arith.addi %mul3A_16, %add3A_90 : i32
      %get3A_92 = arith.index_cast %add3A_91 : i32 to index
      %get3A_93 = tpu.vector_load %arg4[%get3A_92] {strides = array<i32>} : memref<8192xf32, #tpu.memory_space<vmem>>, vector<16xf32>,
      %get3A_94 = vector.shape_cast %get3A_93 : vector<16xf32> to vector<16xf32>
      %mul3A_95 = arith.mulf %get3A_94, %get3A_20 : vector<16xf32>
      %swap3A_96 = arith.index_cast %add3A_91 : i32 to index
      %swap3A_97 = tpu.vector_load %arg4[%swap3A_96] {strides = array<i32>} : memref<8192xf32, #tpu.memory_space<vmem>>, vector<16xf32>,
      %swap3A_98 = vector.shape_cast %swap3A_97 : vector<16xf32> to vector<16xf32>
      %swap3A_99 = vector.shape_cast %mul3A_95 : vector<16xf32> to vector<16xf32>
      tpu.vector_store %arg4[%swap3A_96], %swap3A_99 {strides = array<i32>} : memref<8192xf32, #tpu.memory_space<vmem>>, vector<16xf32>,
      %add3A_100 = arith.constant 128 : i32
      %add3A_101 = arith.addi %mul3A_16, %add3A_100 : i32
      %get3A_102 = arith.index_cast %add3A_101 : i32 to index
      %get3A_103 = tpu.vector_load %arg4[%get3A_102] {strides = array<i32>} : memref<8192xf32, #tpu.memory_space<vmem>>, vector<16xf32>,
      %get3A_104 = vector.shape_cast %get3A_103 : vector<16xf32> to vector<16xf32>
      %mul3A_105 = arith.mulf %get3A_104, %get3A_20 : vector<16xf32>
      %swap3A_106 = arith.index_cast %add3A_101 : i32 to index
      %swap3A_107 = tpu.vector_load %arg4[%swap3A_106] {strides = array<i32>} : memref<8192xf32, #tpu.memory_space<vmem>>, vector<16xf32>,
      %swap3A_108 = vector.shape_cast %swap3A_107 : vector<16xf32> to vector<16xf32>
      %swap3A_109 = vector.shape_cast %mul3A_105 : vector<16xf32> to vector<16xf32>
      tpu.vector_store %arg4[%swap3A_106], %swap3A_109 {strides = array<i32>} : memref<8192xf32, #tpu.memory_space<vmem>>, vector<16xf32>,
      %add3A_110 = arith.constant 144 : i32
      %add3A_111 = arith.addi %mul3A_16, %add3A_110 : i32
      %get3A_112 = arith.index_cast %add3A_111 : i32 to index
      %get3A_113 = tpu.vector_load %arg4[%get3A_112] {strides = array<i32>} : memref<8192xf32, #tpu.memory_space<vmem>>, vector<16xf32>,
      %get3A_114 = vector.shape_cast %get3A_113 : vector<16xf32> to vector<16xf32>
      %mul3A_115 = arith.mulf %get3A_114, %get3A_20 : vector<16xf32>
      %swap3A_116 = arith.index_cast %add3A_111 : i32 to index
      %swap3A_117 = tpu.vector_load %arg4[%swap3A_116] {strides = array<i32>} : memref<8192xf32, #tpu.memory_space<vmem>>, vector<16xf32>,
      %swap3A_118 = vector.shape_cast %swap3A_117 : vector<16xf32> to vector<16xf32>
      %swap3A_119 = vector.shape_cast %mul3A_115 : vector<16xf32> to vector<16xf32>
      tpu.vector_store %arg4[%swap3A_116], %swap3A_119 {strides = array<i32>} : memref<8192xf32, #tpu.memory_space<vmem>>, vector<16xf32>,
      %add3A_120 = arith.constant 160 : i32
      %add3A_121 = arith.addi %mul3A_16, %add3A_120 : i32
      %get3A_122 = arith.index_cast %add3A_121 : i32 to index
      %get3A_123 = tpu.vector_load %arg4[%get3A_122] {strides = array<i32>} : memref<8192xf32, #tpu.memory_space<vmem>>, vector<16xf32>,
      %get3A_124 = vector.shape_cast %get3A_123 : vector<16xf32> to vector<16xf32>
      %mul3A_125 = arith.mulf %get3A_124, %get3A_20 : vector<16xf32>
      %swap3A_126 = arith.index_cast %add3A_121 : i32 to index
      %swap3A_127 = tpu.vector_load %arg4[%swap3A_126] {strides = array<i32>} : memref<8192xf32, #tpu.memory_space<vmem>>, vector<16xf32>,
      %swap3A_128 = vector.shape_cast %swap3A_127 : vector<16xf32> to vector<16xf32>
      %swap3A_129 = vector.shape_cast %mul3A_125 : vector<16xf32> to vector<16xf32>
      tpu.vector_store %arg4[%swap3A_126], %swap3A_129 {strides = array<i32>} : memref<8192xf32, #tpu.memory_space<vmem>>, vector<16xf32>,
      %add3A_130 = arith.constant 176 : i32
      %add3A_131 = arith.addi %mul3A_16, %add3A_130 : i32
      %get3A_132 = arith.index_cast %add3A_131 : i32 to index
      %get3A_133 = tpu.vector_load %arg4[%get3A_132] {strides = array<i32>} : memref<8192xf32, #tpu.memory_space<vmem>>, vector<16xf32>,
      %get3A_134 = vector.shape_cast %get3A_133 : vector<16xf32> to vector<16xf32>
      %mul3A_135 = arith.mulf %get3A_134, %get3A_20 : vector<16xf32>
      %swap3A_136 = arith.index_cast %add3A_131 : i32 to index
      %swap3A_137 = tpu.vector_load %arg4[%swap3A_136] {strides = array<i32>} : memref<8192xf32, #tpu.memory_space<vmem>>, vector<16xf32>,
      %swap3A_138 = vector.shape_cast %swap3A_137 : vector<16xf32> to vector<16xf32>
      %swap3A_139 = vector.shape_cast %mul3A_135 : vector<16xf32> to vector<16xf32>
      tpu.vector_store %arg4[%swap3A_136], %swap3A_139 {strides = array<i32>} : memref<8192xf32, #tpu.memory_space<vmem>>, vector<16xf32>,
      %add3A_140 = arith.constant 192 : i32
      %add3A_141 = arith.addi %mul3A_16, %add3A_140 : i32
      %get3A_142 = arith.index_cast %add3A_141 : i32 to index
      %get3A_143 = tpu.vector_load %arg4[%get3A_142] {strides = array<i32>} : memref<8192xf32, #tpu.memory_space<vmem>>, vector<16xf32>,
      %get3A_144 = vector.shape_cast %get3A_143 : vector<16xf32> to vector<16xf32>
      %mul3A_145 = arith.mulf %get3A_144, %get3A_20 : vector<16xf32>
      %swap3A_146 = arith.index_cast %add3A_141 : i32 to index
      %swap3A_147 = tpu.vector_load %arg4[%swap3A_146] {strides = array<i32>} : memref<8192xf32, #tpu.memory_space<vmem>>, vector<16xf32>,
      %swap3A_148 = vector.shape_cast %swap3A_147 : vector<16xf32> to vector<16xf32>
      %swap3A_149 = vector.shape_cast %mul3A_145 : vector<16xf32> to vector<16xf32>
      tpu.vector_store %arg4[%swap3A_146], %swap3A_149 {strides = array<i32>} : memref<8192xf32, #tpu.memory_space<vmem>>, vector<16xf32>,
      %add3A_150 = arith.constant 208 : i32
      %add3A_151 = arith.addi %mul3A_16, %add3A_150 : i32
      %get3A_152 = arith.index_cast %add3A_151 : i32 to index
      %get3A_153 = tpu.vector_load %arg4[%get3A_152] {strides = array<i32>} : memref<8192xf32, #tpu.memory_space<vmem>>, vector<16xf32>,
      %get3A_154 = vector.shape_cast %get3A_153 : vector<16xf32> to vector<16xf32>
      %mul3A_155 = arith.mulf %get3A_154, %get3A_20 : vector<16xf32>
      %swap3A_156 = arith.index_cast %add3A_151 : i32 to index
      %swap3A_157 = tpu.vector_load %arg4[%swap3A_156] {strides = array<i32>} : memref<8192xf32, #tpu.memory_space<vmem>>, vector<16xf32>,
      %swap3A_158 = vector.shape_cast %swap3A_157 : vector<16xf32> to vector<16xf32>
      %swap3A_159 = vector.shape_cast %mul3A_155 : vector<16xf32> to vector<16xf32>
      tpu.vector_store %arg4[%swap3A_156], %swap3A_159 {strides = array<i32>} : memref<8192xf32, #tpu.memory_space<vmem>>, vector<16xf32>,
      %add3A_160 = arith.constant 224 : i32
      %add3A_161 = arith.addi %mul3A_16, %add3A_160 : i32
      %get3A_162 = arith.index_cast %add3A_161 : i32 to index
      %get3A_163 = tpu.vector_load %arg4[%get3A_162] {strides = array<i32>} : memref<8192xf32, #tpu.memory_space<vmem>>, vector<16xf32>,
      %get3A_164 = vector.shape_cast %get3A_163 : vector<16xf32> to vector<16xf32>
      %mul3A_165 = arith.mulf %get3A_164, %get3A_20 : vector<16xf32>
      %swap3A_166 = arith.index_cast %add3A_161 : i32 to index
      %swap3A_167 = tpu.vector_load %arg4[%swap3A_166] {strides = array<i32>} : memref<8192xf32, #tpu.memory_space<vmem>>, vector<16xf32>,
      %swap3A_168 = vector.shape_cast %swap3A_167 : vector<16xf32> to vector<16xf32>
      %swap3A_169 = vector.shape_cast %mul3A_165 : vector<16xf32> to vector<16xf32>
      tpu.vector_store %arg4[%swap3A_166], %swap3A_169 {strides = array<i32>} : memref<8192xf32, #tpu.memory_space<vmem>>, vector<16xf32>,
      %add3A_170 = arith.constant 240 : i32
      %add3A_171 = arith.addi %mul3A_16, %add3A_170 : i32
      %get3A_172 = arith.index_cast %add3A_171 : i32 to index
      %get3A_173 = tpu.vector_load %arg4[%get3A_172] {strides = array<i32>} : memref<8192xf32, #tpu.memory_space<vmem>>, vector<16xf32>,
      %get3A_174 = vector.shape_cast %get3A_173 : vector<16xf32> to vector<16xf32>
      %mul3A_175 = arith.mulf %get3A_174, %get3A_20 : vector<16xf32>
      %swap3A_176 = arith.index_cast %add3A_171 : i32 to index
      %swap3A_177 = tpu.vector_load %arg4[%swap3A_176] {strides = array<i32>} : memref<8192xf32, #tpu.memory_space<vmem>>, vector<16xf32>,
      %swap3A_178 = vector.shape_cast %swap3A_177 : vector<16xf32> to vector<16xf32>
      %swap3A_179 = vector.shape_cast %mul3A_175 : vector<16xf32> to vector<16xf32>
      tpu.vector_store %arg4[%swap3A_176], %swap3A_179 {strides = array<i32>} : memref<8192xf32, #tpu.memory_space<vmem>>, vector<16xf32>,
      %scan3A_180 = arith.constant 1 : i32
      %scan3A_181 = arith.addi %scan3A_14, %scan3A_180 : i32
      %mul3A_182 = arith.constant 256 : i32
      %mul3A_183 = arith.muli %scan3A_181, %mul3A_182 : i32
      %mul3A_184 = arith.constant 16 : i32
      %mul3A_185 = arith.muli %scan3A_181, %mul3A_184 : i32
      %get3A_186 = arith.index_cast %mul3A_185 : i32 to index
      %get3A_187 = tpu.vector_load %arg5[%get3A_186] {strides = array<i32>} : memref<512xf32, #tpu.memory_space<vmem>>, vector<16xf32>,
      %get3A_188 = vector.shape_cast %get3A_187 : vector<16xf32> to vector<16xf32>
      %add3A_189 = arith.constant 0 : i32
      %add3A_190 = arith.addi %mul3A_183, %add3A_189 : i32
      %get3A_191 = arith.index_cast %add3A_190 : i32 to index
      %get3A_192 = tpu.vector_load %arg4[%get3A_191] {strides = array<i32>} : memref<8192xf32, #tpu.memory_space<vmem>>, vector<16xf32>,
      %get3A_193 = vector.shape_cast %get3A_192 : vector<16xf32> to vector<16xf32>
      %mul3A_194 = arith.mulf %get3A_193, %get3A_188 : vector<16xf32>
      %swap3A_195 = arith.index_cast %add3A_190 : i32 to index
      %swap3A_196 = tpu.vector_load %arg4[%swap3A_195] {strides = array<i32>} : memref<8192xf32, #tpu.memory_space<vmem>>, vector<16xf32>,
      %swap3A_197 = vector.shape_cast %swap3A_196 : vector<16xf32> to vector<16xf32>
      %swap3A_198 = vector.shape_cast %mul3A_194 : vector<16xf32> to vector<16xf32>
      tpu.vector_store %arg4[%swap3A_195], %swap3A_198 {strides = array<i32>} : memref<8192xf32, #tpu.memory_space<vmem>>, vector<16xf32>,
      %add3A_199 = arith.constant 16 : i32
      %add3A_200 = arith.addi %mul3A_183, %add3A_199 : i32
      %get3A_201 = arith.index_cast %add3A_200 : i32 to index
      %get3A_202 = tpu.vector_load %arg4[%get3A_201] {strides = array<i32>} : memref<8192xf32, #tpu.memory_space<vmem>>, vector<16xf32>,
      %get3A_203 = vector.shape_cast %get3A_202 : vector<16xf32> to vector<16xf32>
      %mul3A_204 = arith.mulf %get3A_203, %get3A_188 : vector<16xf32>
      %swap3A_205 = arith.index_cast %add3A_200 : i32 to index
      %swap3A_206 = tpu.vector_load %arg4[%swap3A_205] {strides = array<i32>} : memref<8192xf32, #tpu.memory_space<vmem>>, vector<16xf32>,
      %swap3A_207 = vector.shape_cast %swap3A_206 : vector<16xf32> to vector<16xf32>
      %swap3A_208 = vector.shape_cast %mul3A_204 : vector<16xf32> to vector<16xf32>
      tpu.vector_store %arg4[%swap3A_205], %swap3A_208 {strides = array<i32>} : memref<8192xf32, #tpu.memory_space<vmem>>, vector<16xf32>,
      %add3A_209 = arith.constant 32 : i32
      %add3A_210 = arith.addi %mul3A_183, %add3A_209 : i32
      %get3A_211 = arith.index_cast %add3A_210 : i32 to index
      %get3A_212 = tpu.vector_load %arg4[%get3A_211] {strides = array<i32>} : memref<8192xf32, #tpu.memory_space<vmem>>, vector<16xf32>,
      %get3A_213 = vector.shape_cast %get3A_212 : vector<16xf32> to vector<16xf32>
      %mul3A_214 = arith.mulf %get3A_213, %get3A_188 : vector<16xf32>
      %swap3A_215 = arith.index_cast %add3A_210 : i32 to index
      %swap3A_216 = tpu.vector_load %arg4[%swap3A_215] {strides = array<i32>} : memref<8192xf32, #tpu.memory_space<vmem>>, vector<16xf32>,
      %swap3A_217 = vector.shape_cast %swap3A_216 : vector<16xf32> to vector<16xf32>
      %swap3A_218 = vector.shape_cast %mul3A_214 : vector<16xf32> to vector<16xf32>
      tpu.vector_store %arg4[%swap3A_215], %swap3A_218 {strides = array<i32>} : memref<8192xf32, #tpu.memory_space<vmem>>, vector<16xf32>,
      %add3A_219 = arith.constant 48 : i32
      %add3A_220 = arith.addi %mul3A_183, %add3A_219 : i32
      %get3A_221 = arith.index_cast %add3A_220 : i32 to index
      %get3A_222 = tpu.vector_load %arg4[%get3A_221] {strides = array<i32>} : memref<8192xf32, #tpu.memory_space<vmem>>, vector<16xf32>,
      %get3A_223 = vector.shape_cast %get3A_222 : vector<16xf32> to vector<16xf32>
      %mul3A_224 = arith.mulf %get3A_223, %get3A_188 : vector<16xf32>
      %swap3A_225 = arith.index_cast %add3A_220 : i32 to index
      %swap3A_226 = tpu.vector_load %arg4[%swap3A_225] {strides = array<i32>} : memref<8192xf32, #tpu.memory_space<vmem>>, vector<16xf32>,
      %swap3A_227 = vector.shape_cast %swap3A_226 : vector<16xf32> to vector<16xf32>
      %swap3A_228 = vector.shape_cast %mul3A_224 : vector<16xf32> to vector<16xf32>
      tpu.vector_store %arg4[%swap3A_225], %swap3A_228 {strides = array<i32>} : memref<8192xf32, #tpu.memory_space<vmem>>, vector<16xf32>,
      %add3A_229 = arith.constant 64 : i32
      %add3A_230 = arith.addi %mul3A_183, %add3A_229 : i32
      %get3A_231 = arith.index_cast %add3A_230 : i32 to index
      %get3A_232 = tpu.vector_load %arg4[%get3A_231] {strides = array<i32>} : memref<8192xf32, #tpu.memory_space<vmem>>, vector<16xf32>,
      %get3A_233 = vector.shape_cast %get3A_232 : vector<16xf32> to vector<16xf32>
      %mul3A_234 = arith.mulf %get3A_233, %get3A_188 : vector<16xf32>
      %swap3A_235 = arith.index_cast %add3A_230 : i32 to index
      %swap3A_236 = tpu.vector_load %arg4[%swap3A_235] {strides = array<i32>} : memref<8192xf32, #tpu.memory_space<vmem>>, vector<16xf32>,
      %swap3A_237 = vector.shape_cast %swap3A_236 : vector<16xf32> to vector<16xf32>
      %swap3A_238 = vector.shape_cast %mul3A_234 : vector<16xf32> to vector<16xf32>
      tpu.vector_store %arg4[%swap3A_235], %swap3A_238 {strides = array<i32>} : memref<8192xf32, #tpu.memory_space<vmem>>, vector<16xf32>,
      %add3A_239 = arith.constant 80 : i32
      %add3A_240 = arith.addi %mul3A_183, %add3A_239 : i32
      %get3A_241 = arith.index_cast %add3A_240 : i32 to index
      %get3A_242 = tpu.vector_load %arg4[%get3A_241] {strides = array<i32>} : memref<8192xf32, #tpu.memory_space<vmem>>, vector<16xf32>,
      %get3A_243 = vector.shape_cast %get3A_242 : vector<16xf32> to vector<16xf32>
      %mul3A_244 = arith.mulf %get3A_243, %get3A_188 : vector<16xf32>
      %swap3A_245 = arith.index_cast %add3A_240 : i32 to index
      %swap3A_246 = tpu.vector_load %arg4[%swap3A_245] {strides = array<i32>} : memref<8192xf32, #tpu.memory_space<vmem>>, vector<16xf32>,
      %swap3A_247 = vector.shape_cast %swap3A_246 : vector<16xf32> to vector<16xf32>
      %swap3A_248 = vector.shape_cast %mul3A_244 : vector<16xf32> to vector<16xf32>
      tpu.vector_store %arg4[%swap3A_245], %swap3A_248 {strides = array<i32>} : memref<8192xf32, #tpu.memory_space<vmem>>, vector<16xf32>,
      %add3A_249 = arith.constant 96 : i32
      %add3A_250 = arith.addi %mul3A_183, %add3A_249 : i32
      %get3A_251 = arith.index_cast %add3A_250 : i32 to index
      %get3A_252 = tpu.vector_load %arg4[%get3A_251] {strides = array<i32>} : memref<8192xf32, #tpu.memory_space<vmem>>, vector<16xf32>,
      %get3A_253 = vector.shape_cast %get3A_252 : vector<16xf32> to vector<16xf32>
      %mul3A_254 = arith.mulf %get3A_253, %get3A_188 : vector<16xf32>
      %swap3A_255 = arith.index_cast %add3A_250 : i32 to index
      %swap3A_256 = tpu.vector_load %arg4[%swap3A_255] {strides = array<i32>} : memref<8192xf32, #tpu.memory_space<vmem>>, vector<16xf32>,
      %swap3A_257 = vector.shape_cast %swap3A_256 : vector<16xf32> to vector<16xf32>
      %swap3A_258 = vector.shape_cast %mul3A_254 : vector<16xf32> to vector<16xf32>
      tpu.vector_store %arg4[%swap3A_255], %swap3A_258 {strides = array<i32>} : memref<8192xf32, #tpu.memory_space<vmem>>, vector<16xf32>,
      %add3A_259 = arith.constant 112 : i32
      %add3A_260 = arith.addi %mul3A_183, %add3A_259 : i32
      %get3A_261 = arith.index_cast %add3A_260 : i32 to index
      %get3A_262 = tpu.vector_load %arg4[%get3A_261] {strides = array<i32>} : memref<8192xf32, #tpu.memory_space<vmem>>, vector<16xf32>,
      %get3A_263 = vector.shape_cast %get3A_262 : vector<16xf32> to vector<16xf32>
      %mul3A_264 = arith.mulf %get3A_263, %get3A_188 : vector<16xf32>
      %swap3A_265 = arith.index_cast %add3A_260 : i32 to index
      %swap3A_266 = tpu.vector_load %arg4[%swap3A_265] {strides = array<i32>} : memref<8192xf32, #tpu.memory_space<vmem>>, vector<16xf32>,
      %swap3A_267 = vector.shape_cast %swap3A_266 : vector<16xf32> to vector<16xf32>
      %swap3A_268 = vector.shape_cast %mul3A_264 : vector<16xf32> to vector<16xf32>
      tpu.vector_store %arg4[%swap3A_265], %swap3A_268 {strides = array<i32>} : memref<8192xf32, #tpu.memory_space<vmem>>, vector<16xf32>,
      %add3A_269 = arith.constant 128 : i32
      %add3A_270 = arith.addi %mul3A_183, %add3A_269 : i32
      %get3A_271 = arith.index_cast %add3A_270 : i32 to index
      %get3A_272 = tpu.vector_load %arg4[%get3A_271] {strides = array<i32>} : memref<8192xf32, #tpu.memory_space<vmem>>, vector<16xf32>,
      %get3A_273 = vector.shape_cast %get3A_272 : vector<16xf32> to vector<16xf32>
      %mul3A_274 = arith.mulf %get3A_273, %get3A_188 : vector<16xf32>
      %swap3A_275 = arith.index_cast %add3A_270 : i32 to index
      %swap3A_276 = tpu.vector_load %arg4[%swap3A_275] {strides = array<i32>} : memref<8192xf32, #tpu.memory_space<vmem>>, vector<16xf32>,
      %swap3A_277 = vector.shape_cast %swap3A_276 : vector<16xf32> to vector<16xf32>
      %swap3A_278 = vector.shape_cast %mul3A_274 : vector<16xf32> to vector<16xf32>
      tpu.vector_store %arg4[%swap3A_275], %swap3A_278 {strides = array<i32>} : memref<8192xf32, #tpu.memory_space<vmem>>, vector<16xf32>,
      %add3A_279 = arith.constant 144 : i32
      %add3A_280 = arith.addi %mul3A_183, %add3A_279 : i32
      %get3A_281 = arith.index_cast %add3A_280 : i32 to index
      %get3A_282 = tpu.vector_load %arg4[%get3A_281] {strides = array<i32>} : memref<8192xf32, #tpu.memory_space<vmem>>, vector<16xf32>,
      %get3A_283 = vector.shape_cast %get3A_282 : vector<16xf32> to vector<16xf32>
      %mul3A_284 = arith.mulf %get3A_283, %get3A_188 : vector<16xf32>
      %swap3A_285 = arith.index_cast %add3A_280 : i32 to index
      %swap3A_286 = tpu.vector_load %arg4[%swap3A_285] {strides = array<i32>} : memref<8192xf32, #tpu.memory_space<vmem>>, vector<16xf32>,
      %swap3A_287 = vector.shape_cast %swap3A_286 : vector<16xf32> to vector<16xf32>
      %swap3A_288 = vector.shape_cast %mul3A_284 : vector<16xf32> to vector<16xf32>
      tpu.vector_store %arg4[%swap3A_285], %swap3A_288 {strides = array<i32>} : memref<8192xf32, #tpu.memory_space<vmem>>, vector<16xf32>,
      %add3A_289 = arith.constant 160 : i32
      %add3A_290 = arith.addi %mul3A_183, %add3A_289 : i32
      %get3A_291 = arith.index_cast %add3A_290 : i32 to index
      %get3A_292 = tpu.vector_load %arg4[%get3A_291] {strides = array<i32>} : memref<8192xf32, #tpu.memory_space<vmem>>, vector<16xf32>,
      %get3A_293 = vector.shape_cast %get3A_292 : vector<16xf32> to vector<16xf32>
      %mul3A_294 = arith.mulf %get3A_293, %get3A_188 : vector<16xf32>
      %swap3A_295 = arith.index_cast %add3A_290 : i32 to index
      %swap3A_296 = tpu.vector_load %arg4[%swap3A_295] {strides = array<i32>} : memref<8192xf32, #tpu.memory_space<vmem>>, vector<16xf32>,
      %swap3A_297 = vector.shape_cast %swap3A_296 : vector<16xf32> to vector<16xf32>
      %swap3A_298 = vector.shape_cast %mul3A_294 : vector<16xf32> to vector<16xf32>
      tpu.vector_store %arg4[%swap3A_295], %swap3A_298 {strides = array<i32>} : memref<8192xf32, #tpu.memory_space<vmem>>, vector<16xf32>,
      %add3A_299 = arith.constant 176 : i32
      %add3A_300 = arith.addi %mul3A_183, %add3A_299 : i32
      %get3A_301 = arith.index_cast %add3A_300 : i32 to index
      %get3A_302 = tpu.vector_load %arg4[%get3A_301] {strides = array<i32>} : memref<8192xf32, #tpu.memory_space<vmem>>, vector<16xf32>,
      %get3A_303 = vector.shape_cast %get3A_302 : vector<16xf32> to vector<16xf32>
      %mul3A_304 = arith.mulf %get3A_303, %get3A_188 : vector<16xf32>
      %swap3A_305 = arith.index_cast %add3A_300 : i32 to index
      %swap3A_306 = tpu.vector_load %arg4[%swap3A_305] {strides = array<i32>} : memref<8192xf32, #tpu.memory_space<vmem>>, vector<16xf32>,
      %swap3A_307 = vector.shape_cast %swap3A_306 : vector<16xf32> to vector<16xf32>
      %swap3A_308 = vector.shape_cast %mul3A_304 : vector<16xf32> to vector<16xf32>
      tpu.vector_store %arg4[%swap3A_305], %swap3A_308 {strides = array<i32>} : memref<8192xf32, #tpu.memory_space<vmem>>, vector<16xf32>,
      %add3A_309 = arith.constant 192 : i32
      %add3A_310 = arith.addi %mul3A_183, %add3A_309 : i32
      %get3A_311 = arith.index_cast %add3A_310 : i32 to index
      %get3A_312 = tpu.vector_load %arg4[%get3A_311] {strides = array<i32>} : memref<8192xf32, #tpu.memory_space<vmem>>, vector<16xf32>,
      %get3A_313 = vector.shape_cast %get3A_312 : vector<16xf32> to vector<16xf32>
      %mul3A_314 = arith.mulf %get3A_313, %get3A_188 : vector<16xf32>
      %swap3A_315 = arith.index_cast %add3A_310 : i32 to index
      %swap3A_316 = tpu.vector_load %arg4[%swap3A_315] {strides = array<i32>} : memref<8192xf32, #tpu.memory_space<vmem>>, vector<16xf32>,
      %swap3A_317 = vector.shape_cast %swap3A_316 : vector<16xf32> to vector<16xf32>
      %swap3A_318 = vector.shape_cast %mul3A_314 : vector<16xf32> to vector<16xf32>
      tpu.vector_store %arg4[%swap3A_315], %swap3A_318 {strides = array<i32>} : memref<8192xf32, #tpu.memory_space<vmem>>, vector<16xf32>,
      %add3A_319 = arith.constant 208 : i32
      %add3A_320 = arith.addi %mul3A_183, %add3A_319 : i32
      %get3A_321 = arith.index_cast %add3A_320 : i32 to index
      %get3A_322 = tpu.vector_load %arg4[%get3A_321] {strides = array<i32>} : memref<8192xf32, #tpu.memory_space<vmem>>, vector<16xf32>,
      %get3A_323 = vector.shape_cast %get3A_322 : vector<16xf32> to vector<16xf32>
      %mul3A_324 = arith.mulf %get3A_323, %get3A_188 : vector<16xf32>
      %swap3A_325 = arith.index_cast %add3A_320 : i32 to index
      %swap3A_326 = tpu.vector_load %arg4[%swap3A_325] {strides = array<i32>} : memref<8192xf32, #tpu.memory_space<vmem>>, vector<16xf32>,
      %swap3A_327 = vector.shape_cast %swap3A_326 : vector<16xf32> to vector<16xf32>
      %swap3A_328 = vector.shape_cast %mul3A_324 : vector<16xf32> to vector<16xf32>
      tpu.vector_store %arg4[%swap3A_325], %swap3A_328 {strides = array<i32>} : memref<8192xf32, #tpu.memory_space<vmem>>, vector<16xf32>,
      %add3A_329 = arith.constant 224 : i32
      %add3A_330 = arith.addi %mul3A_183, %add3A_329 : i32
      %get3A_331 = arith.index_cast %add3A_330 : i32 to index
      %get3A_332 = tpu.vector_load %arg4[%get3A_331] {strides = array<i32>} : memref<8192xf32, #tpu.memory_space<vmem>>, vector<16xf32>,
      %get3A_333 = vector.shape_cast %get3A_332 : vector<16xf32> to vector<16xf32>
      %mul3A_334 = arith.mulf %get3A_333, %get3A_188 : vector<16xf32>
      %swap3A_335 = arith.index_cast %add3A_330 : i32 to index
      %swap3A_336 = tpu.vector_load %arg4[%swap3A_335] {strides = array<i32>} : memref<8192xf32, #tpu.memory_space<vmem>>, vector<16xf32>,
      %swap3A_337 = vector.shape_cast %swap3A_336 : vector<16xf32> to vector<16xf32>
      %swap3A_338 = vector.shape_cast %mul3A_334 : vector<16xf32> to vector<16xf32>
      tpu.vector_store %arg4[%swap3A_335], %swap3A_338 {strides = array<i32>} : memref<8192xf32, #tpu.memory_space<vmem>>, vector<16xf32>,
      %add3A_339 = arith.constant 240 : i32
      %add3A_340 = arith.addi %mul3A_183, %add3A_339 : i32
      %get3A_341 = arith.index_cast %add3A_340 : i32 to index
      %get3A_342 = tpu.vector_load %arg4[%get3A_341] {strides = array<i32>} : memref<8192xf32, #tpu.memory_space<vmem>>, vector<16xf32>,
      %get3A_343 = vector.shape_cast %get3A_342 : vector<16xf32> to vector<16xf32>
      %mul3A_344 = arith.mulf %get3A_343, %get3A_188 : vector<16xf32>
      %swap3A_345 = arith.index_cast %add3A_340 : i32 to index
      %swap3A_346 = tpu.vector_load %arg4[%swap3A_345] {strides = array<i32>} : memref<8192xf32, #tpu.memory_space<vmem>>, vector<16xf32>,
      %swap3A_347 = vector.shape_cast %swap3A_346 : vector<16xf32> to vector<16xf32>
      %swap3A_348 = vector.shape_cast %mul3A_344 : vector<16xf32> to vector<16xf32>
      tpu.vector_store %arg4[%swap3A_345], %swap3A_348 {strides = array<i32>} : memref<8192xf32, #tpu.memory_space<vmem>>, vector<16xf32>,
      %scan3A_349 = arith.constant 2 : i32
      %scan3A_350 = arith.addi %scan3A_14, %scan3A_349 : i32
      %mul3A_351 = arith.constant 256 : i32
      %mul3A_352 = arith.muli %scan3A_350, %mul3A_351 : i32
      %mul3A_353 = arith.constant 16 : i32
      %mul3A_354 = arith.muli %scan3A_350, %mul3A_353 : i32
      %get3A_355 = arith.index_cast %mul3A_354 : i32 to index
      %get3A_356 = tpu.vector_load %arg5[%get3A_355] {strides = array<i32>} : memref<512xf32, #tpu.memory_space<vmem>>, vector<16xf32>,
      %get3A_357 = vector.shape_cast %get3A_356 : vector<16xf32> to vector<16xf32>
      %add3A_358 = arith.constant 0 : i32
      %add3A_359 = arith.addi %mul3A_352, %add3A_358 : i32
      %get3A_360 = arith.index_cast %add3A_359 : i32 to index
      %get3A_361 = tpu.vector_load %arg4[%get3A_360] {strides = array<i32>} : memref<8192xf32, #tpu.memory_space<vmem>>, vector<16xf32>,
      %get3A_362 = vector.shape_cast %get3A_361 : vector<16xf32> to vector<16xf32>
      %mul3A_363 = arith.mulf %get3A_362, %get3A_357 : vector<16xf32>
      %swap3A_364 = arith.index_cast %add3A_359 : i32 to index
      %swap3A_365 = tpu.vector_load %arg4[%swap3A_364] {strides = array<i32>} : memref<8192xf32, #tpu.memory_space<vmem>>, vector<16xf32>,
      %swap3A_366 = vector.shape_cast %swap3A_365 : vector<16xf32> to vector<16xf32>
      %swap3A_367 = vector.shape_cast %mul3A_363 : vector<16xf32> to vector<16xf32>
      tpu.vector_store %arg4[%swap3A_364], %swap3A_367 {strides = array<i32>} : memref<8192xf32, #tpu.memory_space<vmem>>, vector<16xf32>,
      %add3A_368 = arith.constant 16 : i32
      %add3A_369 = arith.addi %mul3A_352, %add3A_368 : i32
      %get3A_370 = arith.index_cast %add3A_369 : i32 to index
      %get3A_371 = tpu.vector_load %arg4[%get3A_370] {strides = array<i32>} : memref<8192xf32, #tpu.memory_space<vmem>>, vector<16xf32>,
      %get3A_372 = vector.shape_cast %get3A_371 : vector<16xf32> to vector<16xf32>
      %mul3A_373 = arith.mulf %get3A_372, %get3A_357 : vector<16xf32>
      %swap3A_374 = arith.index_cast %add3A_369 : i32 to index
      %swap3A_375 = tpu.vector_load %arg4[%swap3A_374] {strides = array<i32>} : memref<8192xf32, #tpu.memory_space<vmem>>, vector<16xf32>,
      %swap3A_376 = vector.shape_cast %swap3A_375 : vector<16xf32> to vector<16xf32>
      %swap3A_377 = vector.shape_cast %mul3A_373 : vector<16xf32> to vector<16xf32>
      tpu.vector_store %arg4[%swap3A_374], %swap3A_377 {strides = array<i32>} : memref<8192xf32, #tpu.memory_space<vmem>>, vector<16xf32>,
      %add3A_378 = arith.constant 32 : i32
      %add3A_379 = arith.addi %mul3A_352, %add3A_378 : i32
      %get3A_380 = arith.index_cast %add3A_379 : i32 to index
      %get3A_381 = tpu.vector_load %arg4[%get3A_380] {strides = array<i32>} : memref<8192xf32, #tpu.memory_space<vmem>>, vector<16xf32>,
      %get3A_382 = vector.shape_cast %get3A_381 : vector<16xf32> to vector<16xf32>
      %mul3A_383 = arith.mulf %get3A_382, %get3A_357 : vector<16xf32>
      %swap3A_384 = arith.index_cast %add3A_379 : i32 to index
      %swap3A_385 = tpu.vector_load %arg4[%swap3A_384] {strides = array<i32>} : memref<8192xf32, #tpu.memory_space<vmem>>, vector<16xf32>,
      %swap3A_386 = vector.shape_cast %swap3A_385 : vector<16xf32> to vector<16xf32>
      %swap3A_387 = vector.shape_cast %mul3A_383 : vector<16xf32> to vector<16xf32>
      tpu.vector_store %arg4[%swap3A_384], %swap3A_387 {strides = array<i32>} : memref<8192xf32, #tpu.memory_space<vmem>>, vector<16xf32>,
      %add3A_388 = arith.constant 48 : i32
      %add3A_389 = arith.addi %mul3A_352, %add3A_388 : i32
      %get3A_390 = arith.index_cast %add3A_389 : i32 to index
      %get3A_391 = tpu.vector_load %arg4[%get3A_390] {strides = array<i32>} : memref<8192xf32, #tpu.memory_space<vmem>>, vector<16xf32>,
      %get3A_392 = vector.shape_cast %get3A_391 : vector<16xf32> to vector<16xf32>
      %mul3A_393 = arith.mulf %get3A_392, %get3A_357 : vector<16xf32>
      %swap3A_394 = arith.index_cast %add3A_389 : i32 to index
      %swap3A_395 = tpu.vector_load %arg4[%swap3A_394] {strides = array<i32>} : memref<8192xf32, #tpu.memory_space<vmem>>, vector<16xf32>,
      %swap3A_396 = vector.shape_cast %swap3A_395 : vector<16xf32> to vector<16xf32>
      %swap3A_397 = vector.shape_cast %mul3A_393 : vector<16xf32> to vector<16xf32>
      tpu.vector_store %arg4[%swap3A_394], %swap3A_397 {strides = array<i32>} : memref<8192xf32, #tpu.memory_space<vmem>>, vector<16xf32>,
      %add3A_398 = arith.constant 64 : i32
      %add3A_399 = arith.addi %mul3A_352, %add3A_398 : i32
      %get3A_400 = arith.index_cast %add3A_399 : i32 to index
      %get3A_401 = tpu.vector_load %arg4[%get3A_400] {strides = array<i32>} : memref<8192xf32, #tpu.memory_space<vmem>>, vector<16xf32>,
      %get3A_402 = vector.shape_cast %get3A_401 : vector<16xf32> to vector<16xf32>
      %mul3A_403 = arith.mulf %get3A_402, %get3A_357 : vector<16xf32>
      %swap3A_404 = arith.index_cast %add3A_399 : i32 to index
      %swap3A_405 = tpu.vector_load %arg4[%swap3A_404] {strides = array<i32>} : memref<8192xf32, #tpu.memory_space<vmem>>, vector<16xf32>,
      %swap3A_406 = vector.shape_cast %swap3A_405 : vector<16xf32> to vector<16xf32>
      %swap3A_407 = vector.shape_cast %mul3A_403 : vector<16xf32> to vector<16xf32>
      tpu.vector_store %arg4[%swap3A_404], %swap3A_407 {strides = array<i32>} : memref<8192xf32, #tpu.memory_space<vmem>>, vector<16xf32>,
      %add3A_408 = arith.constant 80 : i32
      %add3A_409 = arith.addi %mul3A_352, %add3A_408 : i32
      %get3A_410 = arith.index_cast %add3A_409 : i32 to index
      %get3A_411 = tpu.vector_load %arg4[%get3A_410] {strides = array<i32>} : memref<8192xf32, #tpu.memory_space<vmem>>, vector<16xf32>,
      %get3A_412 = vector.shape_cast %get3A_411 : vector<16xf32> to vector<16xf32>
      %mul3A_413 = arith.mulf %get3A_412, %get3A_357 : vector<16xf32>
      %swap3A_414 = arith.index_cast %add3A_409 : i32 to index
      %swap3A_415 = tpu.vector_load %arg4[%swap3A_414] {strides = array<i32>} : memref<8192xf32, #tpu.memory_space<vmem>>, vector<16xf32>,
      %swap3A_416 = vector.shape_cast %swap3A_415 : vector<16xf32> to vector<16xf32>
      %swap3A_417 = vector.shape_cast %mul3A_413 : vector<16xf32> to vector<16xf32>
      tpu.vector_store %arg4[%swap3A_414], %swap3A_417 {strides = array<i32>} : memref<8192xf32, #tpu.memory_space<vmem>>, vector<16xf32>,
      %add3A_418 = arith.constant 96 : i32
      %add3A_419 = arith.addi %mul3A_352, %add3A_418 : i32
      %get3A_420 = arith.index_cast %add3A_419 : i32 to index
      %get3A_421 = tpu.vector_load %arg4[%get3A_420] {strides = array<i32>} : memref<8192xf32, #tpu.memory_space<vmem>>, vector<16xf32>,
      %get3A_422 = vector.shape_cast %get3A_421 : vector<16xf32> to vector<16xf32>
      %mul3A_423 = arith.mulf %get3A_422, %get3A_357 : vector<16xf32>
      %swap3A_424 = arith.index_cast %add3A_419 : i32 to index
      %swap3A_425 = tpu.vector_load %arg4[%swap3A_424] {strides = array<i32>} : memref<8192xf32, #tpu.memory_space<vmem>>, vector<16xf32>,
      %swap3A_426 = vector.shape_cast %swap3A_425 : vector<16xf32> to vector<16xf32>
      %swap3A_427 = vector.shape_cast %mul3A_423 : vector<16xf32> to vector<16xf32>
      tpu.vector_store %arg4[%swap3A_424], %swap3A_427 {strides = array<i32>} : memref<8192xf32, #tpu.memory_space<vmem>>, vector<16xf32>,
      %add3A_428 = arith.constant 112 : i32
      %add3A_429 = arith.addi %mul3A_352, %add3A_428 : i32
      %get3A_430 = arith.index_cast %add3A_429 : i32 to index
      %get3A_431 = tpu.vector_load %arg4[%get3A_430] {strides = array<i32>} : memref<8192xf32, #tpu.memory_space<vmem>>, vector<16xf32>,
      %get3A_432 = vector.shape_cast %get3A_431 : vector<16xf32> to vector<16xf32>
      %mul3A_433 = arith.mulf %get3A_432, %get3A_357 : vector<16xf32>
      %swap3A_434 = arith.index_cast %add3A_429 : i32 to index
      %swap3A_435 = tpu.vector_load %arg4[%swap3A_434] {strides = array<i32>} : memref<8192xf32, #tpu.memory_space<vmem>>, vector<16xf32>,
      %swap3A_436 = vector.shape_cast %swap3A_435 : vector<16xf32> to vector<16xf32>
      %swap3A_437 = vector.shape_cast %mul3A_433 : vector<16xf32> to vector<16xf32>
      tpu.vector_store %arg4[%swap3A_434], %swap3A_437 {strides = array<i32>} : memref<8192xf32, #tpu.memory_space<vmem>>, vector<16xf32>,
      %add3A_438 = arith.constant 128 : i32
      %add3A_439 = arith.addi %mul3A_352, %add3A_438 : i32
      %get3A_440 = arith.index_cast %add3A_439 : i32 to index
      %get3A_441 = tpu.vector_load %arg4[%get3A_440] {strides = array<i32>} : memref<8192xf32, #tpu.memory_space<vmem>>, vector<16xf32>,
      %get3A_442 = vector.shape_cast %get3A_441 : vector<16xf32> to vector<16xf32>
      %mul3A_443 = arith.mulf %get3A_442, %get3A_357 : vector<16xf32>
      %swap3A_444 = arith.index_cast %add3A_439 : i32 to index
      %swap3A_445 = tpu.vector_load %arg4[%swap3A_444] {strides = array<i32>} : memref<8192xf32, #tpu.memory_space<vmem>>, vector<16xf32>,
      %swap3A_446 = vector.shape_cast %swap3A_445 : vector<16xf32> to vector<16xf32>
      %swap3A_447 = vector.shape_cast %mul3A_443 : vector<16xf32> to vector<16xf32>
      tpu.vector_store %arg4[%swap3A_444], %swap3A_447 {strides = array<i32>} : memref<8192xf32, #tpu.memory_space<vmem>>, vector<16xf32>,
      %add3A_448 = arith.constant 144 : i32
      %add3A_449 = arith.addi %mul3A_352, %add3A_448 : i32
      %get3A_450 = arith.index_cast %add3A_449 : i32 to index
      %get3A_451 = tpu.vector_load %arg4[%get3A_450] {strides = array<i32>} : memref<8192xf32, #tpu.memory_space<vmem>>, vector<16xf32>,
      %get3A_452 = vector.shape_cast %get3A_451 : vector<16xf32> to vector<16xf32>
      %mul3A_453 = arith.mulf %get3A_452, %get3A_357 : vector<16xf32>
      %swap3A_454 = arith.index_cast %add3A_449 : i32 to index
      %swap3A_455 = tpu.vector_load %arg4[%swap3A_454] {strides = array<i32>} : memref<8192xf32, #tpu.memory_space<vmem>>, vector<16xf32>,
      %swap3A_456 = vector.shape_cast %swap3A_455 : vector<16xf32> to vector<16xf32>
      %swap3A_457 = vector.shape_cast %mul3A_453 : vector<16xf32> to vector<16xf32>
      tpu.vector_store %arg4[%swap3A_454], %swap3A_457 {strides = array<i32>} : memref<8192xf32, #tpu.memory_space<vmem>>, vector<16xf32>,
      %add3A_458 = arith.constant 160 : i32
      %add3A_459 = arith.addi %mul3A_352, %add3A_458 : i32
      %get3A_460 = arith.index_cast %add3A_459 : i32 to index
      %get3A_461 = tpu.vector_load %arg4[%get3A_460] {strides = array<i32>} : memref<8192xf32, #tpu.memory_space<vmem>>, vector<16xf32>,
      %get3A_462 = vector.shape_cast %get3A_461 : vector<16xf32> to vector<16xf32>
      %mul3A_463 = arith.mulf %get3A_462, %get3A_357 : vector<16xf32>
      %swap3A_464 = arith.index_cast %add3A_459 : i32 to index
      %swap3A_465 = tpu.vector_load %arg4[%swap3A_464] {strides = array<i32>} : memref<8192xf32, #tpu.memory_space<vmem>>, vector<16xf32>,
      %swap3A_466 = vector.shape_cast %swap3A_465 : vector<16xf32> to vector<16xf32>
      %swap3A_467 = vector.shape_cast %mul3A_463 : vector<16xf32> to vector<16xf32>
      tpu.vector_store %arg4[%swap3A_464], %swap3A_467 {strides = array<i32>} : memref<8192xf32, #tpu.memory_space<vmem>>, vector<16xf32>,
      %add3A_468 = arith.constant 176 : i32
      %add3A_469 = arith.addi %mul3A_352, %add3A_468 : i32
      %get3A_470 = arith.index_cast %add3A_469 : i32 to index
      %get3A_471 = tpu.vector_load %arg4[%get3A_470] {strides = array<i32>} : memref<8192xf32, #tpu.memory_space<vmem>>, vector<16xf32>,
      %get3A_472 = vector.shape_cast %get3A_471 : vector<16xf32> to vector<16xf32>
      %mul3A_473 = arith.mulf %get3A_472, %get3A_357 : vector<16xf32>
      %swap3A_474 = arith.index_cast %add3A_469 : i32 to index
      %swap3A_475 = tpu.vector_load %arg4[%swap3A_474] {strides = array<i32>} : memref<8192xf32, #tpu.memory_space<vmem>>, vector<16xf32>,
      %swap3A_476 = vector.shape_cast %swap3A_475 : vector<16xf32> to vector<16xf32>
      %swap3A_477 = vector.shape_cast %mul3A_473 : vector<16xf32> to vector<16xf32>
      tpu.vector_store %arg4[%swap3A_474], %swap3A_477 {strides = array<i32>} : memref<8192xf32, #tpu.memory_space<vmem>>, vector<16xf32>,
      %add3A_478 = arith.constant 192 : i32
      %add3A_479 = arith.addi %mul3A_352, %add3A_478 : i32
      %get3A_480 = arith.index_cast %add3A_479 : i32 to index
      %get3A_481 = tpu.vector_load %arg4[%get3A_480] {strides = array<i32>} : memref<8192xf32, #tpu.memory_space<vmem>>, vector<16xf32>,
      %get3A_482 = vector.shape_cast %get3A_481 : vector<16xf32> to vector<16xf32>
      %mul3A_483 = arith.mulf %get3A_482, %get3A_357 : vector<16xf32>
      %swap3A_484 = arith.index_cast %add3A_479 : i32 to index
      %swap3A_485 = tpu.vector_load %arg4[%swap3A_484] {strides = array<i32>} : memref<8192xf32, #tpu.memory_space<vmem>>, vector<16xf32>,
      %swap3A_486 = vector.shape_cast %swap3A_485 : vector<16xf32> to vector<16xf32>
      %swap3A_487 = vector.shape_cast %mul3A_483 : vector<16xf32> to vector<16xf32>
      tpu.vector_store %arg4[%swap3A_484], %swap3A_487 {strides = array<i32>} : memref<8192xf32, #tpu.memory_space<vmem>>, vector<16xf32>,
      %add3A_488 = arith.constant 208 : i32
      %add3A_489 = arith.addi %mul3A_352, %add3A_488 : i32
      %get3A_490 = arith.index_cast %add3A_489 : i32 to index
      %get3A_491 = tpu.vector_load %arg4[%get3A_490] {strides = array<i32>} : memref<8192xf32, #tpu.memory_space<vmem>>, vector<16xf32>,
      %get3A_492 = vector.shape_cast %get3A_491 : vector<16xf32> to vector<16xf32>
      %mul3A_493 = arith.mulf %get3A_492, %get3A_357 : vector<16xf32>
      %swap3A_494 = arith.index_cast %add3A_489 : i32 to index
      %swap3A_495 = tpu.vector_load %arg4[%swap3A_494] {strides = array<i32>} : memref<8192xf32, #tpu.memory_space<vmem>>, vector<16xf32>,
      %swap3A_496 = vector.shape_cast %swap3A_495 : vector<16xf32> to vector<16xf32>
      %swap3A_497 = vector.shape_cast %mul3A_493 : vector<16xf32> to vector<16xf32>
      tpu.vector_store %arg4[%swap3A_494], %swap3A_497 {strides = array<i32>} : memref<8192xf32, #tpu.memory_space<vmem>>, vector<16xf32>,
      %add3A_498 = arith.constant 224 : i32
      %add3A_499 = arith.addi %mul3A_352, %add3A_498 : i32
      %get3A_500 = arith.index_cast %add3A_499 : i32 to index
      %get3A_501 = tpu.vector_load %arg4[%get3A_500] {strides = array<i32>} : memref<8192xf32, #tpu.memory_space<vmem>>, vector<16xf32>,
      %get3A_502 = vector.shape_cast %get3A_501 : vector<16xf32> to vector<16xf32>
      %mul3A_503 = arith.mulf %get3A_502, %get3A_357 : vector<16xf32>
      %swap3A_504 = arith.index_cast %add3A_499 : i32 to index
      %swap3A_505 = tpu.vector_load %arg4[%swap3A_504] {strides = array<i32>} : memref<8192xf32, #tpu.memory_space<vmem>>, vector<16xf32>,
      %swap3A_506 = vector.shape_cast %swap3A_505 : vector<16xf32> to vector<16xf32>
      %swap3A_507 = vector.shape_cast %mul3A_503 : vector<16xf32> to vector<16xf32>
      tpu.vector_store %arg4[%swap3A_504], %swap3A_507 {strides = array<i32>} : memref<8192xf32, #tpu.memory_space<vmem>>, vector<16xf32>,
      %add3A_508 = arith.constant 240 : i32
      %add3A_509 = arith.addi %mul3A_352, %add3A_508 : i32
      %get3A_510 = arith.index_cast %add3A_509 : i32 to index
      %get3A_511 = tpu.vector_load %arg4[%get3A_510] {strides = array<i32>} : memref<8192xf32, #tpu.memory_space<vmem>>, vector<16xf32>,
      %get3A_512 = vector.shape_cast %get3A_511 : vector<16xf32> to vector<16xf32>
      %mul3A_513 = arith.mulf %get3A_512, %get3A_357 : vector<16xf32>
      %swap3A_514 = arith.index_cast %add3A_509 : i32 to index
      %swap3A_515 = tpu.vector_load %arg4[%swap3A_514] {strides = array<i32>} : memref<8192xf32, #tpu.memory_space<vmem>>, vector<16xf32>,
      %swap3A_516 = vector.shape_cast %swap3A_515 : vector<16xf32> to vector<16xf32>
      %swap3A_517 = vector.shape_cast %mul3A_513 : vector<16xf32> to vector<16xf32>
      tpu.vector_store %arg4[%swap3A_514], %swap3A_517 {strides = array<i32>} : memref<8192xf32, #tpu.memory_space<vmem>>, vector<16xf32>,
      %scan3A_518 = arith.constant 3 : i32
      %scan3A_519 = arith.addi %scan3A_14, %scan3A_518 : i32
      %mul3A_520 = arith.constant 256 : i32
      %mul3A_521 = arith.muli %scan3A_519, %mul3A_520 : i32
      %mul3A_522 = arith.constant 16 : i32
      %mul3A_523 = arith.muli %scan3A_519, %mul3A_522 : i32
      %get3A_524 = arith.index_cast %mul3A_523 : i32 to index
      %get3A_525 = tpu.vector_load %arg5[%get3A_524] {strides = array<i32>} : memref<512xf32, #tpu.memory_space<vmem>>, vector<16xf32>,
      %get3A_526 = vector.shape_cast %get3A_525 : vector<16xf32> to vector<16xf32>
      %add3A_527 = arith.constant 0 : i32
      %add3A_528 = arith.addi %mul3A_521, %add3A_527 : i32
      %get3A_529 = arith.index_cast %add3A_528 : i32 to index
      %get3A_530 = tpu.vector_load %arg4[%get3A_529] {strides = array<i32>} : memref<8192xf32, #tpu.memory_space<vmem>>, vector<16xf32>,
      %get3A_531 = vector.shape_cast %get3A_530 : vector<16xf32> to vector<16xf32>
      %mul3A_532 = arith.mulf %get3A_531, %get3A_526 : vector<16xf32>
      %swap3A_533 = arith.index_cast %add3A_528 : i32 to index
      %swap3A_534 = tpu.vector_load %arg4[%swap3A_533] {strides = array<i32>} : memref<8192xf32, #tpu.memory_space<vmem>>, vector<16xf32>,
      %swap3A_535 = vector.shape_cast %swap3A_534 : vector<16xf32> to vector<16xf32>
      %swap3A_536 = vector.shape_cast %mul3A_532 : vector<16xf32> to vector<16xf32>
      tpu.vector_store %arg4[%swap3A_533], %swap3A_536 {strides = array<i32>} : memref<8192xf32, #tpu.memory_space<vmem>>, vector<16xf32>,
      %add3A_537 = arith.constant 16 : i32
      %add3A_538 = arith.addi %mul3A_521, %add3A_537 : i32
      %get3A_539 = arith.index_cast %add3A_538 : i32 to index
      %get3A_540 = tpu.vector_load %arg4[%get3A_539] {strides = array<i32>} : memref<8192xf32, #tpu.memory_space<vmem>>, vector<16xf32>,
      %get3A_541 = vector.shape_cast %get3A_540 : vector<16xf32> to vector<16xf32>
      %mul3A_542 = arith.mulf %get3A_541, %get3A_526 : vector<16xf32>
      %swap3A_543 = arith.index_cast %add3A_538 : i32 to index
      %swap3A_544 = tpu.vector_load %arg4[%swap3A_543] {strides = array<i32>} : memref<8192xf32, #tpu.memory_space<vmem>>, vector<16xf32>,
      %swap3A_545 = vector.shape_cast %swap3A_544 : vector<16xf32> to vector<16xf32>
      %swap3A_546 = vector.shape_cast %mul3A_542 : vector<16xf32> to vector<16xf32>
      tpu.vector_store %arg4[%swap3A_543], %swap3A_546 {strides = array<i32>} : memref<8192xf32, #tpu.memory_space<vmem>>, vector<16xf32>,
      %add3A_547 = arith.constant 32 : i32
      %add3A_548 = arith.addi %mul3A_521, %add3A_547 : i32
      %get3A_549 = arith.index_cast %add3A_548 : i32 to index
      %get3A_550 = tpu.vector_load %arg4[%get3A_549] {strides = array<i32>} : memref<8192xf32, #tpu.memory_space<vmem>>, vector<16xf32>,
      %get3A_551 = vector.shape_cast %get3A_550 : vector<16xf32> to vector<16xf32>
      %mul3A_552 = arith.mulf %get3A_551, %get3A_526 : vector<16xf32>
      %swap3A_553 = arith.index_cast %add3A_548 : i32 to index
      %swap3A_554 = tpu.vector_load %arg4[%swap3A_553] {strides = array<i32>} : memref<8192xf32, #tpu.memory_space<vmem>>, vector<16xf32>,
      %swap3A_555 = vector.shape_cast %swap3A_554 : vector<16xf32> to vector<16xf32>
      %swap3A_556 = vector.shape_cast %mul3A_552 : vector<16xf32> to vector<16xf32>
      tpu.vector_store %arg4[%swap3A_553], %swap3A_556 {strides = array<i32>} : memref<8192xf32, #tpu.memory_space<vmem>>, vector<16xf32>,
      %add3A_557 = arith.constant 48 : i32
      %add3A_558 = arith.addi %mul3A_521, %add3A_557 : i32
      %get3A_559 = arith.index_cast %add3A_558 : i32 to index
      %get3A_560 = tpu.vector_load %arg4[%get3A_559] {strides = array<i32>} : memref<8192xf32, #tpu.memory_space<vmem>>, vector<16xf32>,
      %get3A_561 = vector.shape_cast %get3A_560 : vector<16xf32> to vector<16xf32>
      %mul3A_562 = arith.mulf %get3A_561, %get3A_526 : vector<16xf32>
      %swap3A_563 = arith.index_cast %add3A_558 : i32 to index
      %swap3A_564 = tpu.vector_load %arg4[%swap3A_563] {strides = array<i32>} : memref<8192xf32, #tpu.memory_space<vmem>>, vector<16xf32>,
      %swap3A_565 = vector.shape_cast %swap3A_564 : vector<16xf32> to vector<16xf32>
      %swap3A_566 = vector.shape_cast %mul3A_562 : vector<16xf32> to vector<16xf32>
      tpu.vector_store %arg4[%swap3A_563], %swap3A_566 {strides = array<i32>} : memref<8192xf32, #tpu.memory_space<vmem>>, vector<16xf32>,
      %add3A_567 = arith.constant 64 : i32
      %add3A_568 = arith.addi %mul3A_521, %add3A_567 : i32
      %get3A_569 = arith.index_cast %add3A_568 : i32 to index
      %get3A_570 = tpu.vector_load %arg4[%get3A_569] {strides = array<i32>} : memref<8192xf32, #tpu.memory_space<vmem>>, vector<16xf32>,
      %get3A_571 = vector.shape_cast %get3A_570 : vector<16xf32> to vector<16xf32>
      %mul3A_572 = arith.mulf %get3A_571, %get3A_526 : vector<16xf32>
      %swap3A_573 = arith.index_cast %add3A_568 : i32 to index
      %swap3A_574 = tpu.vector_load %arg4[%swap3A_573] {strides = array<i32>} : memref<8192xf32, #tpu.memory_space<vmem>>, vector<16xf32>,
      %swap3A_575 = vector.shape_cast %swap3A_574 : vector<16xf32> to vector<16xf32>
      %swap3A_576 = vector.shape_cast %mul3A_572 : vector<16xf32> to vector<16xf32>
      tpu.vector_store %arg4[%swap3A_573], %swap3A_576 {strides = array<i32>} : memref<8192xf32, #tpu.memory_space<vmem>>, vector<16xf32>,
      %add3A_577 = arith.constant 80 : i32
      %add3A_578 = arith.addi %mul3A_521, %add3A_577 : i32
      %get3A_579 = arith.index_cast %add3A_578 : i32 to index
      %get3A_580 = tpu.vector_load %arg4[%get3A_579] {strides = array<i32>} : memref<8192xf32, #tpu.memory_space<vmem>>, vector<16xf32>,
      %get3A_581 = vector.shape_cast %get3A_580 : vector<16xf32> to vector<16xf32>
      %mul3A_582 = arith.mulf %get3A_581, %get3A_526 : vector<16xf32>
      %swap3A_583 = arith.index_cast %add3A_578 : i32 to index
      %swap3A_584 = tpu.vector_load %arg4[%swap3A_583] {strides = array<i32>} : memref<8192xf32, #tpu.memory_space<vmem>>, vector<16xf32>,
      %swap3A_585 = vector.shape_cast %swap3A_584 : vector<16xf32> to vector<16xf32>
      %swap3A_586 = vector.shape_cast %mul3A_582 : vector<16xf32> to vector<16xf32>
      tpu.vector_store %arg4[%swap3A_583], %swap3A_586 {strides = array<i32>} : memref<8192xf32, #tpu.memory_space<vmem>>, vector<16xf32>,
      %add3A_587 = arith.constant 96 : i32
      %add3A_588 = arith.addi %mul3A_521, %add3A_587 : i32
      %get3A_589 = arith.index_cast %add3A_588 : i32 to index
      %get3A_590 = tpu.vector_load %arg4[%get3A_589] {strides = array<i32>} : memref<8192xf32, #tpu.memory_space<vmem>>, vector<16xf32>,
      %get3A_591 = vector.shape_cast %get3A_590 : vector<16xf32> to vector<16xf32>
      %mul3A_592 = arith.mulf %get3A_591, %get3A_526 : vector<16xf32>
      %swap3A_593 = arith.index_cast %add3A_588 : i32 to index
      %swap3A_594 = tpu.vector_load %arg4[%swap3A_593] {strides = array<i32>} : memref<8192xf32, #tpu.memory_space<vmem>>, vector<16xf32>,
      %swap3A_595 = vector.shape_cast %swap3A_594 : vector<16xf32> to vector<16xf32>
      %swap3A_596 = vector.shape_cast %mul3A_592 : vector<16xf32> to vector<16xf32>
      tpu.vector_store %arg4[%swap3A_593], %swap3A_596 {strides = array<i32>} : memref<8192xf32, #tpu.memory_space<vmem>>, vector<16xf32>,
      %add3A_597 = arith.constant 112 : i32
      %add3A_598 = arith.addi %mul3A_521, %add3A_597 : i32
      %get3A_599 = arith.index_cast %add3A_598 : i32 to index
      %get3A_600 = tpu.vector_load %arg4[%get3A_599] {strides = array<i32>} : memref<8192xf32, #tpu.memory_space<vmem>>, vector<16xf32>,
      %get3A_601 = vector.shape_cast %get3A_600 : vector<16xf32> to vector<16xf32>
      %mul3A_602 = arith.mulf %get3A_601, %get3A_526 : vector<16xf32>
      %swap3A_603 = arith.index_cast %add3A_598 : i32 to index
      %swap3A_604 = tpu.vector_load %arg4[%swap3A_603] {strides = array<i32>} : memref<8192xf32, #tpu.memory_space<vmem>>, vector<16xf32>,
      %swap3A_605 = vector.shape_cast %swap3A_604 : vector<16xf32> to vector<16xf32>
      %swap3A_606 = vector.shape_cast %mul3A_602 : vector<16xf32> to vector<16xf32>
      tpu.vector_store %arg4[%swap3A_603], %swap3A_606 {strides = array<i32>} : memref<8192xf32, #tpu.memory_space<vmem>>, vector<16xf32>,
      %add3A_607 = arith.constant 128 : i32
      %add3A_608 = arith.addi %mul3A_521, %add3A_607 : i32
      %get3A_609 = arith.index_cast %add3A_608 : i32 to index
      %get3A_610 = tpu.vector_load %arg4[%get3A_609] {strides = array<i32>} : memref<8192xf32, #tpu.memory_space<vmem>>, vector<16xf32>,
      %get3A_611 = vector.shape_cast %get3A_610 : vector<16xf32> to vector<16xf32>
      %mul3A_612 = arith.mulf %get3A_611, %get3A_526 : vector<16xf32>
      %swap3A_613 = arith.index_cast %add3A_608 : i32 to index
      %swap3A_614 = tpu.vector_load %arg4[%swap3A_613] {strides = array<i32>} : memref<8192xf32, #tpu.memory_space<vmem>>, vector<16xf32>,
      %swap3A_615 = vector.shape_cast %swap3A_614 : vector<16xf32> to vector<16xf32>
      %swap3A_616 = vector.shape_cast %mul3A_612 : vector<16xf32> to vector<16xf32>
      tpu.vector_store %arg4[%swap3A_613], %swap3A_616 {strides = array<i32>} : memref<8192xf32, #tpu.memory_space<vmem>>, vector<16xf32>,
      %add3A_617 = arith.constant 144 : i32
      %add3A_618 = arith.addi %mul3A_521, %add3A_617 : i32
      %get3A_619 = arith.index_cast %add3A_618 : i32 to index
      %get3A_620 = tpu.vector_load %arg4[%get3A_619] {strides = array<i32>} : memref<8192xf32, #tpu.memory_space<vmem>>, vector<16xf32>,
      %get3A_621 = vector.shape_cast %get3A_620 : vector<16xf32> to vector<16xf32>
      %mul3A_622 = arith.mulf %get3A_621, %get3A_526 : vector<16xf32>
      %swap3A_623 = arith.index_cast %add3A_618 : i32 to index
      %swap3A_624 = tpu.vector_load %arg4[%swap3A_623] {strides = array<i32>} : memref<8192xf32, #tpu.memory_space<vmem>>, vector<16xf32>,
      %swap3A_625 = vector.shape_cast %swap3A_624 : vector<16xf32> to vector<16xf32>
      %swap3A_626 = vector.shape_cast %mul3A_622 : vector<16xf32> to vector<16xf32>
      tpu.vector_store %arg4[%swap3A_623], %swap3A_626 {strides = array<i32>} : memref<8192xf32, #tpu.memory_space<vmem>>, vector<16xf32>,
      %add3A_627 = arith.constant 160 : i32
      %add3A_628 = arith.addi %mul3A_521, %add3A_627 : i32
      %get3A_629 = arith.index_cast %add3A_628 : i32 to index
      %get3A_630 = tpu.vector_load %arg4[%get3A_629] {strides = array<i32>} : memref<8192xf32, #tpu.memory_space<vmem>>, vector<16xf32>,
      %get3A_631 = vector.shape_cast %get3A_630 : vector<16xf32> to vector<16xf32>
      %mul3A_632 = arith.mulf %get3A_631, %get3A_526 : vector<16xf32>
      %swap3A_633 = arith.index_cast %add3A_628 : i32 to index
      %swap3A_634 = tpu.vector_load %arg4[%swap3A_633] {strides = array<i32>} : memref<8192xf32, #tpu.memory_space<vmem>>, vector<16xf32>,
      %swap3A_635 = vector.shape_cast %swap3A_634 : vector<16xf32> to vector<16xf32>
      %swap3A_636 = vector.shape_cast %mul3A_632 : vector<16xf32> to vector<16xf32>
      tpu.vector_store %arg4[%swap3A_633], %swap3A_636 {strides = array<i32>} : memref<8192xf32, #tpu.memory_space<vmem>>, vector<16xf32>,
      %add3A_637 = arith.constant 176 : i32
      %add3A_638 = arith.addi %mul3A_521, %add3A_637 : i32
      %get3A_639 = arith.index_cast %add3A_638 : i32 to index
      %get3A_640 = tpu.vector_load %arg4[%get3A_639] {strides = array<i32>} : memref<8192xf32, #tpu.memory_space<vmem>>, vector<16xf32>,
      %get3A_641 = vector.shape_cast %get3A_640 : vector<16xf32> to vector<16xf32>
      %mul3A_642 = arith.mulf %get3A_641, %get3A_526 : vector<16xf32>
      %swap3A_643 = arith.index_cast %add3A_638 : i32 to index
      %swap3A_644 = tpu.vector_load %arg4[%swap3A_643] {strides = array<i32>} : memref<8192xf32, #tpu.memory_space<vmem>>, vector<16xf32>,
      %swap3A_645 = vector.shape_cast %swap3A_644 : vector<16xf32> to vector<16xf32>
      %swap3A_646 = vector.shape_cast %mul3A_642 : vector<16xf32> to vector<16xf32>
      tpu.vector_store %arg4[%swap3A_643], %swap3A_646 {strides = array<i32>} : memref<8192xf32, #tpu.memory_space<vmem>>, vector<16xf32>,
      %add3A_647 = arith.constant 192 : i32
      %add3A_648 = arith.addi %mul3A_521, %add3A_647 : i32
      %get3A_649 = arith.index_cast %add3A_648 : i32 to index
      %get3A_650 = tpu.vector_load %arg4[%get3A_649] {strides = array<i32>} : memref<8192xf32, #tpu.memory_space<vmem>>, vector<16xf32>,
      %get3A_651 = vector.shape_cast %get3A_650 : vector<16xf32> to vector<16xf32>
      %mul3A_652 = arith.mulf %get3A_651, %get3A_526 : vector<16xf32>
      %swap3A_653 = arith.index_cast %add3A_648 : i32 to index
      %swap3A_654 = tpu.vector_load %arg4[%swap3A_653] {strides = array<i32>} : memref<8192xf32, #tpu.memory_space<vmem>>, vector<16xf32>,
      %swap3A_655 = vector.shape_cast %swap3A_654 : vector<16xf32> to vector<16xf32>
      %swap3A_656 = vector.shape_cast %mul3A_652 : vector<16xf32> to vector<16xf32>
      tpu.vector_store %arg4[%swap3A_653], %swap3A_656 {strides = array<i32>} : memref<8192xf32, #tpu.memory_space<vmem>>, vector<16xf32>,
      %add3A_657 = arith.constant 208 : i32
      %add3A_658 = arith.addi %mul3A_521, %add3A_657 : i32
      %get3A_659 = arith.index_cast %add3A_658 : i32 to index
      %get3A_660 = tpu.vector_load %arg4[%get3A_659] {strides = array<i32>} : memref<8192xf32, #tpu.memory_space<vmem>>, vector<16xf32>,
      %get3A_661 = vector.shape_cast %get3A_660 : vector<16xf32> to vector<16xf32>
      %mul3A_662 = arith.mulf %get3A_661, %get3A_526 : vector<16xf32>
      %swap3A_663 = arith.index_cast %add3A_658 : i32 to index
      %swap3A_664 = tpu.vector_load %arg4[%swap3A_663] {strides = array<i32>} : memref<8192xf32, #tpu.memory_space<vmem>>, vector<16xf32>,
      %swap3A_665 = vector.shape_cast %swap3A_664 : vector<16xf32> to vector<16xf32>
      %swap3A_666 = vector.shape_cast %mul3A_662 : vector<16xf32> to vector<16xf32>
      tpu.vector_store %arg4[%swap3A_663], %swap3A_666 {strides = array<i32>} : memref<8192xf32, #tpu.memory_space<vmem>>, vector<16xf32>,
      %add3A_667 = arith.constant 224 : i32
      %add3A_668 = arith.addi %mul3A_521, %add3A_667 : i32
      %get3A_669 = arith.index_cast %add3A_668 : i32 to index
      %get3A_670 = tpu.vector_load %arg4[%get3A_669] {strides = array<i32>} : memref<8192xf32, #tpu.memory_space<vmem>>, vector<16xf32>,
      %get3A_671 = vector.shape_cast %get3A_670 : vector<16xf32> to vector<16xf32>
      %mul3A_672 = arith.mulf %get3A_671, %get3A_526 : vector<16xf32>
      %swap3A_673 = arith.index_cast %add3A_668 : i32 to index
      %swap3A_674 = tpu.vector_load %arg4[%swap3A_673] {strides = array<i32>} : memref<8192xf32, #tpu.memory_space<vmem>>, vector<16xf32>,
      %swap3A_675 = vector.shape_cast %swap3A_674 : vector<16xf32> to vector<16xf32>
      %swap3A_676 = vector.shape_cast %mul3A_672 : vector<16xf32> to vector<16xf32>
      tpu.vector_store %arg4[%swap3A_673], %swap3A_676 {strides = array<i32>} : memref<8192xf32, #tpu.memory_space<vmem>>, vector<16xf32>,
      %add3A_677 = arith.constant 240 : i32
      %add3A_678 = arith.addi %mul3A_521, %add3A_677 : i32
      %get3A_679 = arith.index_cast %add3A_678 : i32 to index
      %get3A_680 = tpu.vector_load %arg4[%get3A_679] {strides = array<i32>} : memref<8192xf32, #tpu.memory_space<vmem>>, vector<16xf32>,
      %get3A_681 = vector.shape_cast %get3A_680 : vector<16xf32> to vector<16xf32>
      %mul3A_682 = arith.mulf %get3A_681, %get3A_526 : vector<16xf32>
      %swap3A_683 = arith.index_cast %add3A_678 : i32 to index
      %swap3A_684 = tpu.vector_load %arg4[%swap3A_683] {strides = array<i32>} : memref<8192xf32, #tpu.memory_space<vmem>>, vector<16xf32>,
      %swap3A_685 = vector.shape_cast %swap3A_684 : vector<16xf32> to vector<16xf32>
      %swap3A_686 = vector.shape_cast %mul3A_682 : vector<16xf32> to vector<16xf32>
      tpu.vector_store %arg4[%swap3A_683], %swap3A_686 {strides = array<i32>} : memref<8192xf32, #tpu.memory_space<vmem>>, vector<16xf32>,
    }
    %scan3A_13 = arith.constant 32 : i32
    "tpu.region"() ({
      %run_scoped3A = tpu.sem_alloc : memref<!tpu.dma_semaphore, #tpu.memory_space<semaphore_mem>>
      %dma_start3A = tpu.memref_slice %arg3[%mul3A_2] : memref<131072xf32, #tpu.memory_space<hbm>> -> memref<8192xf32, #tpu.memory_space<hbm>>
      %dma_start3A_14 = tpu.memref_slice %arg3[%mul3A_2] : memref<131072xf32, #tpu.memory_space<hbm>> -> memref<8192xf32, #tpu.memory_space<hbm>>
      tpu.enqueue_dma source(%arg4 : memref<8192xf32, #tpu.memory_space<vmem>>) target(%dma_start3A_14 : memref<8192xf32, #tpu.memory_space<hbm>>) target_semaphore(%run_scoped3A : memref<!tpu.dma_semaphore, #tpu.memory_space<semaphore_mem>>)
      %dma_wait3A = tpu.memref_slice %arg3[%mul3A_2] : memref<131072xf32, #tpu.memory_space<hbm>> -> memref<8192xf32, #tpu.memory_space<hbm>>
      %dma_wait3A_15 = tpu.memref_slice %arg3[%mul3A_2] : memref<131072xf32, #tpu.memory_space<hbm>> -> memref<8192xf32, #tpu.memory_space<hbm>>
      tpu.wait_dma2 semaphore(%run_scoped3A : memref<!tpu.dma_semaphore, #tpu.memory_space<semaphore_mem>>) src(%arg4 : memref<8192xf32, #tpu.memory_space<vmem>>) dst(%dma_wait3A_15 : memref<8192xf32, #tpu.memory_space<hbm>>)
      tpu.yield
    }) : () -> ()
    return
  }
}

</mosaic_0001>

<sc_bundles>
// kernel: kernel.3.cloned.1.call-start
scs
__scs_entry_jumppad:
0x0: {  	(pc) =	sbr.rel $0x88, $3  }
0x1: {  	(tag) =	ssettag $0x0;
	lr =	simm.s32 $0x1  }
0x2: {  	[smem:$0x3FA0] =	sst lr;
	_ =	strace $0xD0000000  }
0x3: {  	_ = 	snop  }
0x4: {  	_ = 	snop  }
0x5: {  	_ = 	snop  }
0x6: {  	_ = 	snop  }
0x7: {  	_ = 	snop  }
__scs_overlays_trampoline_lowered:
0x8: {  	[smem:$0x3FAF] =	sst s0  }
0x9: {  	[smem:$0x3FB0] =	sst s1  }
0xa: {  	[smem:$0x3FB1] =	sst s2  }
0xb: {  	[smem:$0x3FB2] =	sst s3  }
0xc: {  	[smem:$0x3FB3] =	sst s4  }
0xd: {  	[smem:$0x3FB4] =	sst s5  }
0xe: {  	[smem:$0x3FB5] =	sst s6  }
0xf: {  	[smem:$0x3FB6] =	sst s7  }
0x10: {  	[smem:$0x3FB7] =	sst s8  }
0x11: {  	[smem:$0x3FB8] =	sst s9;
	s0 =	simm.s32 @!p0 $0x0  }
0x12: {  	s1 =	sld [smem:$0x3F9E];
	s0 =	simm.s32 @p0 $0x1  }
0x13: {  	[smem:$0x3FB9] =	sst s0;
	s0 =	simm.s32 @!p1 $0x0  }
0x14: {  	s2 =	sld [smem:$0x3F9D];
	s0 =	simm.s32 @p1 $0x1  }
0x15: {  	[smem:$0x3FBA] =	sst s0;
	s0 =	simm.s32 @!p2 $0x0  }
0x16: {  	s3 =	sld [smem:$0x3FDB];
	s0 =	simm.s32 @p2 $0x1  }
0x17: {  	s4 =	simm.s32 $0x1BF5;
	[smem:$0x3FBC] =	sst s0  }
0x18: {  	s0 =	sld [smem:$0x3F9F];
	_ =	swait.ge [sflag:s4], $0x0  }
0x19: {  	s7 =	sld [smem:$0x3FA0]  }
0x1a: {  	s8 =	sadd.s32 $0xFFFFE003, lr  }
0x1b: {  	s9 =	sadd.s32 $0xFFFFFEF7, lr;
	s5 =	simm.s32 $0xFFFFFFFF;
	p2 =	slt.u32 s8, $0xFFFFF086  }
0x1c: {  	p1 =	slt.u32 s9, $0xF7A;
	s5 =	simm.s32 @!p2 $0x0  }
0x1d: {  	s5 =	simm.s32 @p1 $0x1;
	p0 =	seq.s32 s7, s2  }
0x1e: {  	s7 =	smul.u32 @!p0 $0xF7A, s2;
	p2 =	seq.s32 @!p0 s5, $0x0  }
0x1f: {  	s9 =	smul.u32 $0xF7A, s1;
	s8 =	simm.s32 @!p0 $0x1BF5;
	p2 =	por !p2, p0  }
0x20: {  	[sflag:s8] =	ssyncset.s32 @!p0 $0xFFFFF086;
	s6 =	sadd.s32 @!p0 s3, s7;
	s7 =	simm.s32 @!p0 $0x108  }
0x21: {  	s3 =	sadd.s32 s3, s9;
	s6 =	sadd.s32 @!p0 $0x88, s6;
	s7 =	simm.s32 @p2 $0x1082  }
0x22: {  	[simem:s7], [sflag:s8] =	dma.local @!p0 [hbm:s6], $0xF7A  }
0x23: {  	s9 =	sor.u32 $0xD0000000, s2;
	s6 =	simm.s32 $0x108;
	_ =	swait.ge @!p0 [sflag:s8], $0x0  }
0x24: {  	s3 =	sadd.s32 $0x88, s3;
	s6 =	simm.s32 @!p1 $0x1082;
	[sflag:s4] =	ssyncset.s32 $0xFFFFF086  }
0x25: {  	[simem:s6], [sflag:s4] =	dma.local [hbm:s3], $0xF7A  }
0x26: {  	[smem:$0x3FA0] =	sst s1;
	(tag) =	ssettag s2;
	_ =	strace s9  }
0x27: {  	s1 =	sld [smem:$0x3FB0]  }
0x28: {  	s2 =	sld [smem:$0x3FB1]  }
0x29: {  	s4 =	sld [smem:$0x3FB3]  }
0x2a: {  	p0 =	seq.s32 s5, $0x0;
	s5 =	sld [smem:$0x3FB4]  }
0x2b: {  	s6 =	sld [smem:$0x3FB5]  }
0x2c: {  	s7 =	sld [smem:$0x3FB6]  }
0x2d: {  	s3 =	simm.s32 $0x108;
	s8 =	sld [smem:$0x3FB7]  }
0x2e: {  	s3 =	simm.s32 @!p0 $0x1082;
	s9 =	sld [smem:$0x3FB8]  }
0x2f: {  	lr =	sadd.s32 s0, s3;
	s0 =	sld [smem:$0x3FAF]  }
0x30: {  	s3 =	sld [smem:$0x3FB2]  }
0x31: {  	[smem:$0x3FBB] =	sst s10  }
0x32: {  	s10 =	sld [smem:$0x3FB9];
	_ =	sdelay $0x3  }
0x33: {  	p0 =	seq.s32 s10, $0x1;
	s10 =	sld [smem:$0x3FBB];
	_ =	sdelay $0x3  }
0x34: {  	[smem:$0x3FBB] =	sst s10  }
0x35: {  	s10 =	sld [smem:$0x3FBA];
	_ =	sdelay $0x3  }
0x36: {  	p1 =	seq.s32 s10, $0x1;
	s10 =	sld [smem:$0x3FBB];
	_ =	sdelay $0x3  }
0x37: {  	[smem:$0x3FBB] =	sst s10  }
0x38: {  	s10 =	sld [smem:$0x3FBC]  }
0x39: {  	_ = 	snop;
	(pc) =	sbr.ind lr, $3  }
0x3a: {  	_ = 	snop  }
0x3b: {  	_ = 	snop  }
0x3c: {  	p2 =	seq.s32 s10, $0x1;
	s10 =	sld [smem:$0x3FBB]  }
0x3d: {  	_ =	shalt  }
0x3e: {  	_ =	shalt  }
0x3f: {  	_ =	shalt  }
0x40: {  	_ =	shalt  }
0x41: {  	_ =	shalt  }
0x42: {  	_ =	shalt  }
0x43: {  	_ =	shalt  }
0x44: {  	_ =	shalt  }
0x45: {  	_ =	shalt  }
0x46: {  	_ =	shalt  }
0x47: {  	_ =	shalt  }
0x48: {  	_ =	shalt  }
0x49: {  	_ =	shalt  }
0x4a: {  	_ =	shalt  }
0x4b: {  	_ =	shalt  }
0x4c: {  	_ =	shalt  }
0x4d: {  	_ =	shalt  }
0x4e: {  	_ =	shalt  }
0x4f: {  	_ =	shalt  }
0x50: {  	_ =	shalt  }
0x51: {  	_ =	shalt  }
0x52: {  	_ =	shalt  }
0x53: {  	_ =	shalt  }
0x54: {  	_ =	shalt  }
0x55: {  	_ =	shalt  }
0x56: {  	_ =	shalt  }
0x57: {  	_ =	shalt  }
0x58: {  	_ =	shalt  }
0x59: {  	_ =	shalt  }
0x5a: {  	_ =	shalt  }
0x5b: {  	_ =	shalt  }
0x5c: {  	_ =	shalt  }
0x5d: {  	_ =	shalt  }
0x5e: {  	_ =	shalt  }
0x5f: {  	_ =	shalt  }
0x60: {  	_ =	shalt  }
0x61: {  	_ =	shalt  }
0x62: {  	_ =	shalt  }
0x63: {  	_ =	shalt  }
0x64: {  	_ =	shalt  }
0x65: {  	_ =	shalt  }
0x66: {  	_ =	shalt  }
0x67: {  	_ =	shalt  }
0x68: {  	_ =	shalt  }
0x69: {  	_ =	shalt  }
0x6a: {  	_ =	shalt  }
0x6b: {  	_ =	shalt  }
0x6c: {  	_ =	shalt  }
0x6d: {  	_ =	shalt  }
0x6e: {  	_ =	shalt  }
0x6f: {  	_ =	shalt  }
0x70: {  	_ =	shalt  }
0x71: {  	_ =	shalt  }
0x72: {  	_ =	shalt  }
0x73: {  	_ =	shalt  }
0x74: {  	_ =	shalt  }
0x75: {  	_ =	shalt  }
0x76: {  	_ =	shalt  }
0x77: {  	_ =	shalt  }
0x78: {  	_ =	shalt  }
0x79: {  	_ =	shalt  }
0x7a: {  	_ =	shalt  }
0x7b: {  	_ =	shalt  }
0x7c: {  	_ =	shalt  }
0x7d: {  	_ =	shalt  }
0x7e: {  	_ =	shalt  }
0x7f: {  	_ =	shalt  }
0x80: {  	_ =	shalt  }
0x81: {  	_ =	shalt  }
0x82: {  	_ =	shalt  }
0x83: {  	_ =	shalt  }
0x84: {  	_ =	shalt  }
0x85: {  	_ =	shalt  }
0x86: {  	_ =	shalt  }
0x87: {  	_ =	shalt  }
.Lfunc_end0:
.L_simem_size_0:
called_computation_lowered:
.L_overlay_start_0:
0x88: {  	s0 =	sld [smem:$0x3FD9]  }
0x89: {  	s1 =	sld [smem:$0x3FFE];
	_ =	sdelay $0x3  }
0x8a: {  	s0 =	sadd.s32 s1, s0  }
0x8b: {  	[smem:$0x3FC7] =	sst s0  }
0x8c: {  	_ = 	snop  }
0x8d: {  	s0 =	sld [smem:$0x3FD0];
	_ =	sdelay $0x2  }
0x8e: {  	s2 =	simm.s32 $0xA;
	s3 =	simm.s32 $0x10;
	s14 =	sld [smem:$0x3FC9]  }
0x8f: {  	[smem:s3], [sflag:s2] =	dma.local [hbm:s0], $0x1  }
0x90: {  	_ =	swait.eq [sflag:s2], $0x1  }
0x91: {  	[sflag:s2] =	ssyncset.done $0x0  }
0x92: {  	[sflag:s2] =	ssyncadd.s32 $0xFFFFFFFF  }
0x93: {  	s15 =	sld [smem:$0x10];
	(tm) =	ssettm $0x1  }
0x94: {  	s16 =	sld [smem:$0x3FFB];
	_ =	sdelay $0x3  }
0x95: {  	_ =	strace s16  }
0x96: {  	s2 =	sld [smem:$0x3FFC];
	_ =	sdelay $0x3  }
0x97: {  	_ =	strace s2  }
0x98: {  	s2 =	sld [smem:$0x3FFD];
	_ =	sdelay $0x3  }
0x99: {  	_ =	strace s2  }
0x9a: {  	_ =	strace $0x8FFFFFFF  }
0x9b: {  	s17 =	sld [smem:$0x3FDB];
	_ =	sdelay $0x1  }
0x9c: {  	s18 =	simm.s32 $_scs_section_size  }
0x9d: {  	s4 =	simm.s32 $_size__tile_overlayer_lowered;
	s5 =	simm.s32 $_tile_overlayer_lowered  }
0x9e: {  	s21 =	simm.s32 $0x1BFF;
	s20 =	sshll.u32 s5, $0x1;
	s2 =	sadd.s32 s18, s17  }
0x9f: {  	s6 =	simm.s32 $0x0;
	s19 =	sshll.u32 s4, $0x1;
	s4 =	sadd.s32 s20, s2  }
0xa0: {  	[timem:s6], [sflag:s21] =	dma.local [hbm:s4], s19  }
0xa1: {  	_ =	swait.ge [sflag:s21], s19  }
0xa2: {  	s3 =	ssub.s32 $0x0, s19;
	[sflag:s21] =	ssyncset.done $0x0  }
0xa3: {  	[sflag:s21] =	ssyncadd.s32 s3;
	_ =	sdelay $0x1  }
0xa4: {  	s22 =	simm.s32 $0x1B8B  }
0xa5: {  	_ =	swait.ge [sflag:s22], $0x1  }
0xa6: {  	[sflag:s22] =	ssyncset.done $0x0  }
0xa7: {  	s23 =	simm.s32 $0x1B8E;
	[sflag:s22] =	ssyncadd.s32 $0xFFFFFFFF  }
0xa8: {  	s24 =	simm.s32 $execute0_lowered;
	[smem:$0x3FD2] =	sst s23  }
0xa9: {  	s3 =	sshll.u32 s24, $0x1;
	_ =	strace $0x80000046;
	[dreg:$0x1] =	wrdreg $0xFFFFFFFF  }
0xaa: {  	s25 =	simm.s32 $_size_execute0_lowered;
	s2 =	sadd.s32 s2, s3;
	[dreg:$0x0] =	wrdreg $0x0  }
0xab: {  	s3 =	sshll.u32 s25, $0x1;
	[dreg:$0x2] =	wrdreg s2  }
0xac: {  	[dreg:$0x3] =	wrdreg s3  }
0xad: {  	[dreg:$0x4] =	wrdreg $0xC0  }
0xae: {  	_ =	task [dreg:s6], $0x5FFFF  }
0xaf: {  	[dreg:$0x1] =	wrdreg $0xFFFFFFFF  }
0xb0: {  	[dreg:$0x0] =	wrdreg $0x60  }
0xb1: {  	[dreg:$0x2] =	wrdreg s14  }
0xb2: {  	[dreg:$0x3] =	wrdreg s15  }
0xb3: {  	[dreg:$0x4] =	wrdreg $0x9  }
0xb4: {  	_ =	task.clear_ibuf [dreg:s6], $0x5FFFF;
	_ =	strace $0x90000046  }
0xb5: {  	s26 =	simm.s32 $0x9;
	_ =	strace $0x80000048  }
0xb6: {  	_ =	swait.ge [sflag:s26], $0x1  }
0xb7: {  	[sflag:s26] =	ssyncadd.s32 $0xFFFFFFFF  }
0xb8: {  	_ =	strace $0x90000048  }
0xb9: {  	_ =	sfence  }
0xba: {  	s28 =	sld [smem:$0x0];
	_ =	sdelay $0x1  }
0xbb: {  	s29 =	srdreg.scid  }
0xbc: {  	s30 =	sshll.u32 s29, $0xD;
	s31 =	sshrl.u32 s29, $0x2  }
0xbd: {  	s1 =	sand.u32 $0x1, s29;
	s2 =	sand.u32 $0x4000, s30;
	s0 =	sadd.s32 s31, s28  }
0xbe: {  	s1 =	sor.u32 s2, s1;
	s0 =	sshll.u32 s0, $0x11  }
0xbf: {  	s0 =	sor.u32 s0, s1  }
0xc0: {  	s0 =	sadd.s32 $0x8F2B, s0  }
0xc1: {  	[sflag:s0] =	ssyncadd.remote.s32 $0x1  }
0xc2: {  	_ =	sfence.sel $0xFFFF  }
0xc3: {  	[dreg:$0x0] =	wrdreg $0xFFFFFFFF;
	(pc) =	sbr.abs _section_cstart, $3  }
0xc4: {  	[dreg:$0x1] =	wrdreg $0xFFFFFFFF  }
0xc5: {  	_ =	task.clear_ibuf [dreg:s6], $0x2FFFF;
	_ =	strace $0x9FFFFFFF  }
0xc6: {  	(tm) =	ssettm $0x7FFFFFFF  }
0xc7: {  	_ =	shalt  }
tec
execute0_lowered:
.L_overlay_start_1:
0x0: {  	(tag) =	ssettag $0x1  }
0x1: {  	s4 =	rddreg [dreg:$0x0]  }
0x2: {  	s2 =	rddreg [dreg:$0x1]  }
0x3: {  	s0 =	rddreg [dreg:$0x2];
	s5 =	simm.s32 $0x0;
	s1 =	stileid.u32  }
0x4: {  	[smem:$0x7FF] =	sst s5;
	s3 =	sshll.u32 s1, $0xA  }
0x5: {  	s31 =	simm.s32 $0x1;
	_ =	strace $0x80000047;
	s4 =	sadd.s32 s4, s3  }
0x6: {  	[tilespmem:s5], [sflag:$0x1] =	stream.linear.gather [hbm4b:s4+s5], $0x2000, $0x38;
	[tilespmem:$0x2200] =	vst v63  }
0x7: {  	_ =	swait.ge [sflag:s31], $0x2000  }
0x8: {  	[sflag:s31] =	ssyncset.done $0x0  }
0x9: {  	s4 =	simm.s32 $0x100;
	[sflag:s31] =	ssyncadd.s32 $0xFFFFE000  }
0xa: {  	v4 =	vld [tilespmem:s4+$0xFFFFFF10]  }
0xb: {  	v5 =	vld [tilespmem:s4+$0xFFFFFF00]  }
0xc: {  	v6 =	vld [tilespmem:s4+$0xFFFFFF20]  }
0xd: {  	v7 =	vld [tilespmem:s4+$0xFFFFFF30]  }
0xe: {  	v8 =	vld [tilespmem:s4+$0xFFFFFF40]  }
0xf: {  	v9 =	vld [tilespmem:s4+$0xFFFFFF50]  }
0x10: {  	v10 =	vld [tilespmem:s4+$0xFFFFFF60];
	v0 =	vmax.f32 v5, v4  }
0x11: {  	v11 =	vld [tilespmem:s4+$0xFFFFFF70];
	v0 =	vmax.f32 v0, v6  }
0x12: {  	v12 =	vld [tilespmem:s4+$0xFFFFFF80];
	v0 =	vmax.f32 v0, v7  }
0x13: {  	v13 =	vld [tilespmem:s4+$0xFFFFFF90];
	v0 =	vmax.f32 v0, v8  }
0x14: {  	v1 =	vimm.s32 $0xEFCDAB89;
	v2 =	vimm.s32 $0x67452301;
	v14 =	vld [tilespmem:s4+$0xFFFFFFA0];
	v0 =	vmax.f32 v0, v9  }
0x15: {  	v1 =	vunpack.c.l.s4.s8 v1;
	v2 =	vunpack.c.l.s4.s8 v2;
	v15 =	vld [tilespmem:s4+$0xFFFFFFB0];
	v0 =	vmax.f32 v0, v10  }
0x16: {  	v3 =	vimm.s32 $0xDCFE98BA;
	v17 =	vimm.s32 $0x54761032;
	v16 =	vld [tilespmem:s4+$0xFFFFFFC0];
	v0 =	vmax.f32 v0, v11  }
0x17: {  	v1 =	vunpack.c.0.s8.s32 v1;
	v2 =	vunpack.c.0.s8.s32 v2;
	v18 =	vld [tilespmem:s4+$0xFFFFFFD0];
	v0 =	vmax.f32 v0, v12  }
0x18: {  	v3 =	vunpack.c.l.s4.s8 v3;
	v17 =	vunpack.c.l.s4.s8 v17;
	v19 =	vld [tilespmem:s4+$0xFFFFFFE0];
	v0 =	vmax.f32 v0, v13  }
0x19: {  	v1 =	vcombine.low v2, v1;
	v20 =	vld [tilespmem:s4+$0xFFFFFFF0];
	v0 =	vmax.f32 v0, v14  }
0x1a: {  	v2 =	vunpack.c.0.s8.s32 v3;
	v3 =	vunpack.c.0.s8.s32 v17;
	v0 =	vmax.f32 v0, v15  }
0x1b: {  	v38 =	vmax.f32 v0, v16  }
0x1c: {  	v0 =	vand.u32 $0xF, v1;
	v1 =	vcombine.low v3, v2;
	v2 =	vmax.f32 v38, v18  }
0x1d: {  	v39 =	vimm.s32 $0x32107654;
	v3 =	vimm.s32 $0xBA98FEDC;
	v2 =	vmax.f32 v2, v19  }
0x1e: {  	v17 =	vunpack.c.l.s4.s8 v39;
	v3 =	vunpack.c.l.s4.s8 v3;
	v2 =	vmax.f32 v2, v20  }
0x1f: {  	v22 =	vimm.s32 $0xFEDCBA98;
	v21 =	vperm.xlane v2, v0  }
0x20: {  	v22 =	vunpack.c.l.s4.s8 v22;
	v17 =	vunpack.c.0.s8.s32 v17;
	v3 =	vunpack.c.0.s8.s32 v3  }
0x21: {  	v1 =	vand.u32 $0xF, v1;
	v21 =	vmax.f32 v2, v21;
	v2 =	vimm.s32 $0x76543210  }
0x22: {  	v3 =	vcombine.low v17, v3;
	v40 =	vunpack.c.l.s4.s8 v2;
	v23 =	vperm.xlane v21, v1  }
0x23: {  	v22 =	vunpack.c.0.s8.s32 v22  }
0x24: {  	v2 =	vand.u32 $0xF, v3;
	v3 =	vunpack.c.0.s8.s32 v40;
	v41 =	vmax.f32 v21, v23  }
0x25: {  	v42 =	vand.u32 $0xF, v22;
	v43 =	vperm.xlane v41, v2  }
0x26: {  	v3 =	vcombine.low v42, v3  }
0x27: {  	v17 =	vmax.f32 v41, v43  }
0x28: {  	v21 =	vperm.xlane v17, v3;
	_ =	sdelay $0x1  }
0x29: {  	v17 =	vmax.f32 v17, v21  }
0x2a: {  	v5 =	vsub.f32 v5, v17  }
0x2b: {  	v4 =	vsub.f32 v4, v17  }
0x2c: {  	v5 =	vmul.f32 $1.442695020e+00, v5  }
0x2d: {  	v6 =	vsub.f32 v6, v17;
	v4 =	vmul.f32 $1.442695020e+00, v4  }
0x2e: {  	(erf) = vpow2.f32 v5  }
0x2f: {  	v6 =	vmul.f32 $1.442695020e+00, v6;
	v5 =	vsub.f32 v7, v17;
	(erf) = vpow2.f32 v4;
	_ =	sdelay $0x1  }
0x30: {  	v4 =	vsub.f32 v8, v17;
	v5 =	vmul.f32 $1.442695020e+00, v5;
	(erf) = vpow2.f32 v6;
	_ =	sdelay $0x1  }
0x31: {  	v44 =	vsub.f32 v9, v17;
	v4 =	vmul.f32 $1.442695020e+00, v4;
	(erf) = vpow2.f32 v5;
	_ =	sdelay $0x1  }
0x32: {  	v6 =	vmul.f32 $1.442695020e+00, v44;
	v5 =	vsub.f32 v10, v17;
	(erf) = vpow2.f32 v4;
	_ =	sdelay $0x1  }
0x33: {  	v4 =	vsub.f32 v11, v17;
	v5 =	vmul.f32 $1.442695020e+00, v5;
	(erf) = vpow2.f32 v6;
	v45 =	vpop (erf)  }
0x34: {  	v46 =	vsub.f32 v12, v17;
	v47 =	vpop (erf)  }
0x35: {  	v4 =	vmul.f32 $1.442695020e+00, v4;
	(erf) = vpow2.f32 v5;
	v48 =	vadd.f32 v47, v45  }
0x36: {  	v6 =	vmul.f32 $1.442695020e+00, v46;
	v49 =	vpop (erf)  }
0x37: {  	v5 =	vsub.f32 v13, v17;
	(erf) = vpow2.f32 v4;
	v9 =	vadd.f32 v48, v49  }
0x38: {  	v4 =	vsub.f32 v14, v17;
	v50 =	vpop (erf)  }
0x39: {  	v5 =	vmul.f32 $1.442695020e+00, v5;
	(erf) = vpow2.f32 v6;
	v9 =	vadd.f32 v9, v50  }
0x3a: {  	v51 =	vsub.f32 v15, v17;
	v52 =	vpop (erf)  }
0x3b: {  	v4 =	vmul.f32 $1.442695020e+00, v4;
	(erf) = vpow2.f32 v5;
	v9 =	vadd.f32 v9, v52  }
0x3c: {  	v6 =	vmul.f32 $1.442695020e+00, v51;
	v53 =	vpop (erf)  }
0x3d: {  	v5 =	vsub.f32 v16, v17;
	(erf) = vpow2.f32 v4;
	v9 =	vadd.f32 v9, v53  }
0x3e: {  	v4 =	vsub.f32 v18, v17;
	v54 =	vpop (erf)  }
0x3f: {  	v5 =	vmul.f32 $1.442695020e+00, v5;
	(erf) = vpow2.f32 v6;
	v9 =	vadd.f32 v9, v54  }
0x40: {  	v4 =	vmul.f32 $1.442695020e+00, v4;
	v56 =	vpop (erf)  }
0x41: {  	v55 =	vsub.f32 v19, v17;
	(erf) = vpow2.f32 v5;
	v9 =	vadd.f32 v9, v56  }
0x42: {  	v5 =	vsub.f32 v20, v17;
	v57 =	vpop (erf)  }
0x43: {  	v6 =	vmul.f32 $1.442695020e+00, v55;
	(erf) = vpow2.f32 v4;
	v9 =	vadd.f32 v9, v57  }
0x44: {  	v5 =	vmul.f32 $1.442695020e+00, v5;
	v4 =	vpop (erf)  }
0x45: {  	(erf) = vpow2.f32 v6;
	v9 =	vadd.f32 v9, v4  }
0x46: {  	v58 =	vpop (erf)  }
0x47: {  	(erf) = vpow2.f32 v5;
	v9 =	vadd.f32 v9, v58  }
0x48: {  	v5 =	vpop (erf)  }
0x49: {  	v9 =	vadd.f32 v9, v5  }
0x4a: {  	v59 =	vpop (erf)  }
0x4b: {  	v9 =	vadd.f32 v9, v59  }
0x4c: {  	v60 =	vpop (erf)  }
0x4d: {  	v9 =	vadd.f32 v9, v60  }
0x4e: {  	v61 =	vpop (erf)  }
0x4f: {  	v9 =	vadd.f32 v9, v61  }
0x50: {  	v62 =	vpop (erf)  }
0x51: {  	v9 =	vadd.f32 v9, v62;
	_ =	sdelay $0x1  }
0x52: {  	v63 =	vperm.xlane v9, v0;
	_ =	sdelay $0x1  }
0x53: {  	v9 =	vadd.f32 v9, v63;
	_ =	sdelay $0x1  }
0x54: {  	v21 =	vperm.xlane v9, v1;
	_ =	sdelay $0x1  }
0x55: {  	v9 =	vadd.f32 v9, v21;
	_ =	sdelay $0x1  }
0x56: {  	v21 =	vperm.xlane v9, v2;
	_ =	sdelay $0x1  }
0x57: {  	[tilespmem:s4+$0xFFFFFF00] =	vst v45;
	v22 =	vadd.f32 v9, v21  }
0x58: {  	[tilespmem:s4+$0xFFFFFF10] =	vst v47  }
0x59: {  	[tilespmem:s4+$0xFFFFFF20] =	vst v49;
	v23 =	vperm.xlane v22, v3  }
0x5a: {  	[tilespmem:s4+$0xFFFFFF30] =	vst v50  }
0x5b: {  	[tilespmem:s4+$0xFFFFFF40] =	vst v52;
	v7 =	vadd.f32 v22, v23  }
0x5c: {  	[tilespmem:s4+$0xFFFFFF50] =	vst v53  }
0x5d: {  	[tilespmem:s4+$0xFFFFFF60] =	vst v54;
	(erf) = vrcp.f32 v7  }
0x5e: {  	[tilespmem:s4+$0xFFFFFF70] =	vst v56  }
0x5f: {  	[tilespmem:s4+$0xFFFFFF80] =	vst v57  }
0x60: {  	[tilespmem:s4+$0xFFFFFF90] =	vst v4  }
0x61: {  	[tilespmem:s4+$0xFFFFFFA0] =	vst v58  }
0x62: {  	[tilespmem:s4+$0xFFFFFFB0] =	vst v5  }
0x63: {  	[tilespmem:s4+$0xFFFFFFC0] =	vst v59  }
0x64: {  	[tilespmem:s4+$0xFFFFFFD0] =	vst v60  }
0x65: {  	[tilespmem:s4+$0xFFFFFFE0] =	vst v61  }
0x66: {  	s5 =	simm.s32 $0x2010;
	[tilespmem:s4+$0xFFFFFFF0] =	vst v62;
	v4 =	vpop (erf)  }
0x67: {  	[tilespmem:s5+$0xFFFFFFF0] =	vst v4  }
0x68: {  	v4 =	vld [tilespmem:s4+$0x0]  }
0x69: {  	v5 =	vld [tilespmem:s4+$0x10]  }
0x6a: {  	v24 =	vld [tilespmem:s4+$0x20]  }
0x6b: {  	v25 =	vld [tilespmem:s4+$0x30]  }
0x6c: {  	v26 =	vld [tilespmem:s4+$0x40]  }
0x6d: {  	v27 =	vld [tilespmem:s4+$0x50]  }
0x6e: {  	v28 =	vld [tilespmem:s4+$0x60];
	v29 =	vmax.f32 v4, v5  }
0x6f: {  	v30 =	vld [tilespmem:s4+$0x70];
	v11 =	vmax.f32 v29, v24  }
0x70: {  	v31 =	vld [tilespmem:s4+$0x80];
	v11 =	vmax.f32 v11, v25  }
0x71: {  	v32 =	vld [tilespmem:s4+$0x90];
	v11 =	vmax.f32 v11, v26  }
0x72: {  	v33 =	vld [tilespmem:s4+$0xA0];
	v11 =	vmax.f32 v11, v27  }
0x73: {  	v34 =	vld [tilespmem:s4+$0xB0];
	v11 =	vmax.f32 v11, v28  }
0x74: {  	v35 =	vld [tilespmem:s4+$0xC0];
	v11 =	vmax.f32 v11, v30  }
0x75: {  	v36 =	vld [tilespmem:s4+$0xD0];
	v11 =	vmax.f32 v11, v31  }
0x76: {  	v37 =	vld [tilespmem:s4+$0xE0];
	v11 =	vmax.f32 v11, v32  }
0x77: {  	v38 =	vld [tilespmem:s4+$0xF0];
	v11 =	vmax.f32 v11, v33  }
0x78: {  	v11 =	vmax.f32 v11, v34  }
0x79: {  	v11 =	vmax.f32 v11, v35  }
0x7a: {  	v11 =	vmax.f32 v11, v36  }
0x7b: {  	v11 =	vmax.f32 v11, v37  }
0x7c: {  	v11 =	vmax.f32 v11, v38  }
0x7d: {  	v39 =	vperm.xlane v11, v0;
	_ =	sdelay $0x1  }
0x7e: {  	v11 =	vmax.f32 v11, v39  }
0x7f: {  	v21 =	vperm.xlane v11, v1;
	_ =	sdelay $0x1  }
0x80: {  	v11 =	vmax.f32 v11, v21  }
0x81: {  	v21 =	vperm.xlane v11, v2;
	_ =	sdelay $0x1  }
0x82: {  	v11 =	vmax.f32 v11, v21  }
0x83: {  	v21 =	vperm.xlane v11, v3;
	_ =	sdelay $0x1  }
0x84: {  	v11 =	vmax.f32 v11, v21  }
0x85: {  	v4 =	vsub.f32 v4, v11  }
0x86: {  	v5 =	vsub.f32 v5, v11  }
0x87: {  	v4 =	vmul.f32 $1.442695020e+00, v4  }
0x88: {  	v6 =	vsub.f32 v24, v11;
	v5 =	vmul.f32 $1.442695020e+00, v5  }
0x89: {  	(erf) = vpow2.f32 v4  }
0x8a: {  	v6 =	vmul.f32 $1.442695020e+00, v6;
	v4 =	vsub.f32 v25, v11;
	(erf) = vpow2.f32 v5;
	_ =	sdelay $0x1  }
0x8b: {  	v5 =	vsub.f32 v26, v11;
	v4 =	vmul.f32 $1.442695020e+00, v4;
	(erf) = vpow2.f32 v6;
	_ =	sdelay $0x1  }
0x8c: {  	v40 =	vsub.f32 v27, v11;
	v5 =	vmul.f32 $1.442695020e+00, v5;
	(erf) = vpow2.f32 v4;
	_ =	sdelay $0x1  }
0x8d: {  	v6 =	vmul.f32 $1.442695020e+00, v40;
	v4 =	vsub.f32 v28, v11;
	(erf) = vpow2.f32 v5;
	_ =	sdelay $0x1  }
0x8e: {  	v5 =	vsub.f32 v30, v11;
	v4 =	vmul.f32 $1.442695020e+00, v4;
	(erf) = vpow2.f32 v6;
	v41 =	vpop (erf)  }
0x8f: {  	v42 =	vsub.f32 v31, v11;
	v43 =	vpop (erf)  }
0x90: {  	v5 =	vmul.f32 $1.442695020e+00, v5;
	(erf) = vpow2.f32 v4;
	v4 =	vadd.f32 v43, v41  }
0x91: {  	v44 =	vsub.f32 v32, v11;
	v45 =	vpop (erf)  }
0x92: {  	v7 =	vmul.f32 $1.442695020e+00, v42;
	(erf) = vpow2.f32 v5;
	v4 =	vadd.f32 v4, v45  }
0x93: {  	v9 =	vmul.f32 $1.442695020e+00, v44;
	v46 =	vpop (erf)  }
0x94: {  	v5 =	vsub.f32 v33, v11;
	(erf) = vpow2.f32 v7;
	v4 =	vadd.f32 v4, v46  }
0x95: {  	v47 =	vsub.f32 v34, v11;
	v48 =	vpop (erf)  }
0x96: {  	v5 =	vmul.f32 $1.442695020e+00, v5;
	(erf) = vpow2.f32 v9;
	v4 =	vadd.f32 v4, v48  }
0x97: {  	v49 =	vsub.f32 v35, v11;
	v50 =	vpop (erf)  }
0x98: {  	v7 =	vmul.f32 $1.442695020e+00, v47;
	(erf) = vpow2.f32 v5;
	v4 =	vadd.f32 v4, v50  }
0x99: {  	v5 =	vsub.f32 v36, v11;
	v51 =	vpop (erf)  }
0x9a: {  	v9 =	vmul.f32 $1.442695020e+00, v49;
	(erf) = vpow2.f32 v7;
	v4 =	vadd.f32 v4, v51  }
0x9b: {  	v5 =	vmul.f32 $1.442695020e+00, v5;
	v53 =	vpop (erf)  }
0x9c: {  	v52 =	vsub.f32 v37, v11;
	(erf) = vpow2.f32 v9;
	v4 =	vadd.f32 v4, v53  }
0x9d: {  	v54 =	vsub.f32 v38, v11;
	v55 =	vpop (erf)  }
0x9e: {  	v7 =	vmul.f32 $1.442695020e+00, v52;
	(erf) = vpow2.f32 v5;
	v4 =	vadd.f32 v4, v55  }
0x9f: {  	v5 =	vpop (erf)  }
0xa0: {  	v9 =	vmul.f32 $1.442695020e+00, v54;
	(erf) = vpow2.f32 v7;
	v4 =	vadd.f32 v4, v5  }
0xa1: {  	v56 =	vpop (erf)  }
0xa2: {  	(erf) = vpow2.f32 v9;
	v4 =	vadd.f32 v4, v56  }
0xa3: {  	v57 =	vpop (erf)  }
0xa4: {  	v4 =	vadd.f32 v4, v57  }
0xa5: {  	v58 =	vpop (erf)  }
0xa6: {  	v4 =	vadd.f32 v4, v58  }
0xa7: {  	v59 =	vpop (erf)  }
0xa8: {  	v4 =	vadd.f32 v4, v59  }
0xa9: {  	v60 =	vpop (erf)  }
0xaa: {  	v4 =	vadd.f32 v4, v60  }
0xab: {  	v61 =	vpop (erf)  }
0xac: {  	v4 =	vadd.f32 v4, v61;
	_ =	sdelay $0x1  }
0xad: {  	v62 =	vperm.xlane v4, v0  }
0xae: {  	[tilespmem:s4+$0x0] =	vst v41  }
0xaf: {  	[tilespmem:s4+$0x10] =	vst v43;
	v4 =	vadd.f32 v4, v62  }
0xb0: {  	[tilespmem:s4+$0x20] =	vst v45  }
0xb1: {  	[tilespmem:s4+$0x30] =	vst v46;
	v63 =	vperm.xlane v4, v1  }
0xb2: {  	[tilespmem:s4+$0x40] =	vst v48  }
0xb3: {  	[tilespmem:s4+$0x50] =	vst v50;
	v4 =	vadd.f32 v4, v63  }
0xb4: {  	[tilespmem:s4+$0x60] =	vst v51  }
0xb5: {  	[tilespmem:s4+$0x70] =	vst v53;
	v6 =	vperm.xlane v4, v2  }
0xb6: {  	[tilespmem:s4+$0x80] =	vst v55  }
0xb7: {  	[tilespmem:s4+$0x90] =	vst v5;
	v4 =	vadd.f32 v4, v6  }
0xb8: {  	[tilespmem:s4+$0xA0] =	vst v56  }
0xb9: {  	[tilespmem:s4+$0xB0] =	vst v57;
	v5 =	vperm.xlane v4, v3  }
0xba: {  	[tilespmem:s4+$0xC0] =	vst v58  }
0xbb: {  	[tilespmem:s4+$0xD0] =	vst v59;
	v4 =	vadd.f32 v4, v5  }
0xbc: {  	[tilespmem:s4+$0xE0] =	vst v60  }
0xbd: {  	s6 =	simm.s32 $0x0;
	s7 =	simm.s32 $0x2010;
	[tilespmem:s4+$0xF0] =	vst v61;
	(erf) = vrcp.f32 v4  }
.LBB2_1:
0xbe: {  	_ =	sdelay $0x2  }
0xbf: {  	s6 =	sadd.s32 $0x2, s6;
	s5 =	sadd.s32 $0x20, s5;
	s4 =	sadd.s32 $0x200, s4  }
0xc0: {  	p0 =	slt.u32 s6, $0x1E;
	_ =	sdelay $0x3  }
0xc1: {  	v4 =	vpop (erf)  }
0xc2: {  	[tilespmem:s7+$0x0] =	vst v4;
	s7 =	smov.u32 s5  }
0xc3: {  	v4 =	vld [tilespmem:s4+$0xFFFFFF10]  }
0xc4: {  	v5 =	vld [tilespmem:s4+$0xFFFFFF00]  }
0xc5: {  	v6 =	vld [tilespmem:s4+$0xFFFFFF20]  }
0xc6: {  	v7 =	vld [tilespmem:s4+$0xFFFFFF30]  }
0xc7: {  	v8 =	vld [tilespmem:s4+$0xFFFFFF40]  }
0xc8: {  	v9 =	vld [tilespmem:s4+$0xFFFFFF50]  }
0xc9: {  	v10 =	vld [tilespmem:s4+$0xFFFFFF60];
	v11 =	vmax.f32 v5, v4  }
0xca: {  	v12 =	vld [tilespmem:s4+$0xFFFFFF70];
	v11 =	vmax.f32 v11, v6  }
0xcb: {  	v13 =	vld [tilespmem:s4+$0xFFFFFF80];
	v11 =	vmax.f32 v11, v7  }
0xcc: {  	v14 =	vld [tilespmem:s4+$0xFFFFFF90];
	v11 =	vmax.f32 v11, v8  }
0xcd: {  	v15 =	vld [tilespmem:s4+$0xFFFFFFA0];
	v11 =	vmax.f32 v11, v9  }
0xce: {  	v16 =	vld [tilespmem:s4+$0xFFFFFFB0];
	v11 =	vmax.f32 v11, v10  }
0xcf: {  	v17 =	vld [tilespmem:s4+$0xFFFFFFC0];
	v11 =	vmax.f32 v11, v12  }
0xd0: {  	v18 =	vld [tilespmem:s4+$0xFFFFFFD0];
	v11 =	vmax.f32 v11, v13  }
0xd1: {  	v19 =	vld [tilespmem:s4+$0xFFFFFFE0];
	v11 =	vmax.f32 v11, v14  }
0xd2: {  	v20 =	vld [tilespmem:s4+$0xFFFFFFF0];
	v11 =	vmax.f32 v11, v15  }
0xd3: {  	v11 =	vmax.f32 v11, v16  }
0xd4: {  	v11 =	vmax.f32 v11, v17  }
0xd5: {  	v11 =	vmax.f32 v11, v18  }
0xd6: {  	v11 =	vmax.f32 v11, v19  }
0xd7: {  	v11 =	vmax.f32 v11, v20  }
0xd8: {  	v21 =	vperm.xlane v11, v0;
	_ =	sdelay $0x1  }
0xd9: {  	v11 =	vmax.f32 v11, v21  }
0xda: {  	v21 =	vperm.xlane v11, v1;
	_ =	sdelay $0x1  }
0xdb: {  	v11 =	vmax.f32 v11, v21  }
0xdc: {  	v21 =	vperm.xlane v11, v2;
	_ =	sdelay $0x1  }
0xdd: {  	v11 =	vmax.f32 v11, v21  }
0xde: {  	v21 =	vperm.xlane v11, v3;
	_ =	sdelay $0x1  }
0xdf: {  	v11 =	vmax.f32 v11, v21  }
0xe0: {  	v5 =	vsub.f32 v5, v11;
	v4 =	vsub.f32 v4, v11  }
0xe1: {  	v6 =	vsub.f32 v6, v11;
	v7 =	vsub.f32 v7, v11  }
0xe2: {  	v8 =	vsub.f32 v8, v11;
	v5 =	vmul.f32 $1.442695020e+00, v5;
	v4 =	vmul.f32 $1.442695020e+00, v4  }
0xe3: {  	v9 =	vsub.f32 v9, v11;
	v6 =	vmul.f32 $1.442695020e+00, v6;
	v7 =	vmul.f32 $1.442695020e+00, v7  }
0xe4: {  	v10 =	vsub.f32 v10, v11;
	v8 =	vmul.f32 $1.442695020e+00, v8;
	(erf) = vpow2.f32 v5  }
0xe5: {  	v5 =	vmul.f32 $1.442695020e+00, v9;
	v9 =	vsub.f32 v12, v11;
	(erf) = vpow2.f32 v4  }
0xe6: {  	v12 =	vsub.f32 v14, v11;
	v4 =	vmul.f32 $1.442695020e+00, v10;
	v10 =	vsub.f32 v13, v11  }
0xe7: {  	v13 =	vsub.f32 v15, v11;
	v9 =	vmul.f32 $1.442695020e+00, v9;
	(erf) = vpow2.f32 v6  }
0xe8: {  	v6 =	vmul.f32 $1.442695020e+00, v10;
	v10 =	vmul.f32 $1.442695020e+00, v12;
	v12 =	vsub.f32 v16, v11  }
0xe9: {  	v14 =	vsub.f32 v17, v11;
	v13 =	vmul.f32 $1.442695020e+00, v13;
	(erf) = vpow2.f32 v7  }
0xea: {  	v16 =	vsub.f32 v19, v11;
	v7 =	vmul.f32 $1.442695020e+00, v12;
	v12 =	vsub.f32 v18, v11  }
0xeb: {  	v14 =	vmul.f32 $1.442695020e+00, v14;
	v11 =	vsub.f32 v20, v11;
	(erf) = vpow2.f32 v8  }
0xec: {  	v8 =	vmul.f32 $1.442695020e+00, v12;
	v12 =	vmul.f32 $1.442695020e+00, v16  }
0xed: {  	v11 =	vmul.f32 $1.442695020e+00, v11;
	v15 =	vpop (erf);
	(erf) = vpow2.f32 v5  }
0xee: {  	v5 =	vpop (erf)  }
0xef: {  	v16 =	vadd.f32 v5, v15;
	(erf) = vpow2.f32 v4  }
0xf0: {  	v4 =	vpop (erf)  }
0xf1: {  	v16 =	vadd.f32 v16, v4;
	(erf) = vpow2.f32 v9  }
0xf2: {  	v9 =	vpop (erf)  }
0xf3: {  	v16 =	vadd.f32 v16, v9;
	(erf) = vpow2.f32 v6  }
0xf4: {  	v6 =	vpop (erf)  }
0xf5: {  	v16 =	vadd.f32 v16, v6;
	(erf) = vpow2.f32 v10  }
0xf6: {  	v10 =	vpop (erf)  }
0xf7: {  	v16 =	vadd.f32 v16, v10;
	(erf) = vpow2.f32 v13  }
0xf8: {  	v13 =	vpop (erf)  }
0xf9: {  	v16 =	vadd.f32 v16, v13;
	(erf) = vpow2.f32 v7  }
0xfa: {  	v7 =	vpop (erf)  }
0xfb: {  	v16 =	vadd.f32 v16, v7;
	(erf) = vpow2.f32 v14  }
0xfc: {  	v14 =	vpop (erf)  }
0xfd: {  	v16 =	vadd.f32 v16, v14;
	(erf) = vpow2.f32 v8  }
0xfe: {  	v8 =	vpop (erf)  }
0xff: {  	v16 =	vadd.f32 v16, v8;
	(erf) = vpow2.f32 v12  }
0x100: {  	v12 =	vpop (erf)  }
0x101: {  	v16 =	vadd.f32 v16, v12;
	(erf) = vpow2.f32 v11  }
0x102: {  	v11 =	vpop (erf)  }
0x103: {  	v16 =	vadd.f32 v16, v11  }
0x104: {  	v17 =	vpop (erf)  }
0x105: {  	v16 =	vadd.f32 v16, v17  }
0x106: {  	v18 =	vpop (erf)  }
0x107: {  	v16 =	vadd.f32 v16, v18  }
0x108: {  	v19 =	vpop (erf)  }
0x109: {  	v16 =	vadd.f32 v16, v19  }
0x10a: {  	v20 =	vpop (erf)  }
0x10b: {  	v16 =	vadd.f32 v16, v20;
	_ =	sdelay $0x1  }
0x10c: {  	v21 =	vperm.xlane v16, v0;
	_ =	sdelay $0x1  }
0x10d: {  	v16 =	vadd.f32 v16, v21;
	_ =	sdelay $0x1  }
0x10e: {  	v21 =	vperm.xlane v16, v1;
	_ =	sdelay $0x1  }
0x10f: {  	v16 =	vadd.f32 v16, v21;
	_ =	sdelay $0x1  }
0x110: {  	v21 =	vperm.xlane v16, v2;
	_ =	sdelay $0x1  }
0x111: {  	[tilespmem:s4+$0xFFFFFF00] =	vst v15;
	v15 =	vadd.f32 v16, v21  }
0x112: {  	[tilespmem:s4+$0xFFFFFF10] =	vst v5  }
0x113: {  	[tilespmem:s4+$0xFFFFFF20] =	vst v4;
	v4 =	vperm.xlane v15, v3  }
0x114: {  	[tilespmem:s4+$0xFFFFFF30] =	vst v9  }
0x115: {  	[tilespmem:s4+$0xFFFFFF40] =	vst v6;
	v4 =	vadd.f32 v15, v4  }
0x116: {  	[tilespmem:s4+$0xFFFFFF50] =	vst v10  }
0x117: {  	[tilespmem:s4+$0xFFFFFFC0] =	vst v17;
	(erf) = vrcp.f32 v4  }
0x118: {  	[tilespmem:s4+$0xFFFFFF60] =	vst v13  }
0x119: {  	[tilespmem:s4+$0xFFFFFF70] =	vst v7  }
0x11a: {  	[tilespmem:s4+$0xFFFFFF80] =	vst v14  }
0x11b: {  	[tilespmem:s4+$0xFFFFFFE0] =	vst v19  }
0x11c: {  	[tilespmem:s4+$0xFFFFFF90] =	vst v8  }
0x11d: {  	[tilespmem:s4+$0xFFFFFFA0] =	vst v12  }
0x11e: {  	[tilespmem:s4+$0xFFFFFFB0] =	vst v11  }
0x11f: {  	[tilespmem:s4+$0xFFFFFFF0] =	vst v20  }
0x120: {  	[tilespmem:s4+$0xFFFFFFD0] =	vst v18;
	v4 =	vpop (erf)  }
0x121: {  	[tilespmem:s5+$0xFFFFFFF0] =	vst v4  }
0x122: {  	v4 =	vld [tilespmem:s4+$0x0]  }
0x123: {  	v5 =	vld [tilespmem:s4+$0x10]  }
0x124: {  	v6 =	vld [tilespmem:s4+$0x20]  }
0x125: {  	v7 =	vld [tilespmem:s4+$0x30]  }
0x126: {  	v8 =	vld [tilespmem:s4+$0x40]  }
0x127: {  	v9 =	vld [tilespmem:s4+$0x50]  }
0x128: {  	v10 =	vld [tilespmem:s4+$0x60];
	v11 =	vmax.f32 v4, v5  }
0x129: {  	v12 =	vld [tilespmem:s4+$0x70];
	v11 =	vmax.f32 v11, v6  }
0x12a: {  	v13 =	vld [tilespmem:s4+$0x80];
	v11 =	vmax.f32 v11, v7  }
0x12b: {  	v14 =	vld [tilespmem:s4+$0x90];
	v11 =	vmax.f32 v11, v8  }
0x12c: {  	v15 =	vld [tilespmem:s4+$0xA0];
	v11 =	vmax.f32 v11, v9  }
0x12d: {  	v16 =	vld [tilespmem:s4+$0xB0];
	v11 =	vmax.f32 v11, v10  }
0x12e: {  	v17 =	vld [tilespmem:s4+$0xC0];
	v11 =	vmax.f32 v11, v12  }
0x12f: {  	v18 =	vld [tilespmem:s4+$0xD0];
	v11 =	vmax.f32 v11, v13  }
0x130: {  	v19 =	vld [tilespmem:s4+$0xE0];
	v11 =	vmax.f32 v11, v14  }
0x131: {  	v20 =	vld [tilespmem:s4+$0xF0];
	v11 =	vmax.f32 v11, v15  }
0x132: {  	v11 =	vmax.f32 v11, v16  }
0x133: {  	v11 =	vmax.f32 v11, v17  }
0x134: {  	v11 =	vmax.f32 v11, v18  }
0x135: {  	v11 =	vmax.f32 v11, v19  }
0x136: {  	v11 =	vmax.f32 v11, v20  }
0x137: {  	v21 =	vperm.xlane v11, v0;
	_ =	sdelay $0x1  }
0x138: {  	v11 =	vmax.f32 v11, v21  }
0x139: {  	v21 =	vperm.xlane v11, v1;
	_ =	sdelay $0x1  }
0x13a: {  	v11 =	vmax.f32 v11, v21  }
0x13b: {  	v21 =	vperm.xlane v11, v2;
	_ =	sdelay $0x1  }
0x13c: {  	v11 =	vmax.f32 v11, v21  }
0x13d: {  	v21 =	vperm.xlane v11, v3;
	_ =	sdelay $0x1  }
0x13e: {  	v11 =	vmax.f32 v11, v21  }
0x13f: {  	v4 =	vsub.f32 v4, v11;
	v5 =	vsub.f32 v5, v11  }
0x140: {  	v6 =	vsub.f32 v6, v11;
	v7 =	vsub.f32 v7, v11  }
0x141: {  	v8 =	vsub.f32 v8, v11;
	v4 =	vmul.f32 $1.442695020e+00, v4;
	v5 =	vmul.f32 $1.442695020e+00, v5  }
0x142: {  	v9 =	vsub.f32 v9, v11;
	v6 =	vmul.f32 $1.442695020e+00, v6;
	v7 =	vmul.f32 $1.442695020e+00, v7  }
0x143: {  	v10 =	vsub.f32 v10, v11;
	v8 =	vmul.f32 $1.442695020e+00, v8;
	(erf) = vpow2.f32 v4  }
0x144: {  	v4 =	vmul.f32 $1.442695020e+00, v9;
	v9 =	vsub.f32 v12, v11;
	(erf) = vpow2.f32 v5  }
0x145: {  	v5 =	vmul.f32 $1.442695020e+00, v10;
	v10 =	vsub.f32 v13, v11;
	(erf) = vpow2.f32 v6  }
0x146: {  	v12 =	vsub.f32 v15, v11;
	v6 =	vmul.f32 $1.442695020e+00, v9;
	v9 =	vsub.f32 v14, v11  }
0x147: {  	v13 =	vsub.f32 v16, v11;
	v10 =	vmul.f32 $1.442695020e+00, v10;
	(erf) = vpow2.f32 v7  }
0x148: {  	v7 =	vmul.f32 $1.442695020e+00, v9;
	v9 =	vmul.f32 $1.442695020e+00, v12;
	v12 =	vsub.f32 v17, v11  }
0x149: {  	v14 =	vsub.f32 v18, v11;
	v13 =	vmul.f32 $1.442695020e+00, v13;
	(erf) = vpow2.f32 v8  }
0x14a: {  	v16 =	vsub.f32 v19, v11;
	v11 =	vsub.f32 v20, v11;
	v8 =	vmul.f32 $1.442695020e+00, v12  }
0x14b: {  	v14 =	vmul.f32 $1.442695020e+00, v14;
	(erf) = vpow2.f32 v4  }
0x14c: {  	v11 =	vmul.f32 $1.442695020e+00, v11;
	v4 =	vmul.f32 $1.442695020e+00, v16;
	v12 =	vpop (erf)  }
0x14d: {  	[tilespmem:s4+$0x0] =	vst v12;
	v15 =	vpop (erf);
	(erf) = vpow2.f32 v5  }
0x14e: {  	[tilespmem:s4+$0x10] =	vst v15;
	v5 =	vadd.f32 v15, v12;
	v12 =	vpop (erf)  }
0x14f: {  	[tilespmem:s4+$0x20] =	vst v12;
	(erf) = vpow2.f32 v6  }
0x150: {  	v5 =	vadd.f32 v5, v12;
	v6 =	vpop (erf)  }
0x151: {  	[tilespmem:s4+$0x30] =	vst v6;
	(erf) = vpow2.f32 v10  }
0x152: {  	v5 =	vadd.f32 v5, v6;
	v6 =	vpop (erf)  }
0x153: {  	[tilespmem:s4+$0x40] =	vst v6;
	(erf) = vpow2.f32 v7  }
0x154: {  	v5 =	vadd.f32 v5, v6;
	v6 =	vpop (erf)  }
0x155: {  	[tilespmem:s4+$0x50] =	vst v6;
	(erf) = vpow2.f32 v9  }
0x156: {  	v5 =	vadd.f32 v5, v6;
	v6 =	vpop (erf)  }
0x157: {  	[tilespmem:s4+$0x60] =	vst v6;
	(erf) = vpow2.f32 v13  }
0x158: {  	v5 =	vadd.f32 v5, v6;
	v6 =	vpop (erf)  }
0x159: {  	[tilespmem:s4+$0x70] =	vst v6;
	(erf) = vpow2.f32 v8  }
0x15a: {  	v5 =	vadd.f32 v5, v6;
	v6 =	vpop (erf)  }
0x15b: {  	[tilespmem:s4+$0x80] =	vst v6;
	(erf) = vpow2.f32 v14  }
0x15c: {  	v7 =	vadd.f32 v5, v6;
	v6 =	vpop (erf)  }
0x15d: {  	[tilespmem:s4+$0x90] =	vst v6;
	(erf) = vpow2.f32 v4  }
0x15e: {  	v4 =	vadd.f32 v7, v6;
	v5 =	vpop (erf)  }
0x15f: {  	[tilespmem:s4+$0xA0] =	vst v5;
	(erf) = vpow2.f32 v11  }
0x160: {  	v4 =	vadd.f32 v4, v5;
	v5 =	vpop (erf)  }
0x161: {  	[tilespmem:s4+$0xB0] =	vst v5  }
0x162: {  	v4 =	vadd.f32 v4, v5;
	v5 =	vpop (erf)  }
0x163: {  	[tilespmem:s4+$0xC0] =	vst v5  }
0x164: {  	v4 =	vadd.f32 v4, v5;
	v5 =	vpop (erf)  }
0x165: {  	[tilespmem:s4+$0xD0] =	vst v5  }
0x166: {  	v4 =	vadd.f32 v4, v5;
	v5 =	vpop (erf)  }
0x167: {  	[tilespmem:s4+$0xE0] =	vst v5  }
0x168: {  	v4 =	vadd.f32 v4, v5;
	v5 =	vpop (erf)  }
0x169: {  	[tilespmem:s4+$0xF0] =	vst v5  }
0x16a: {  	v4 =	vadd.f32 v4, v5;
	_ =	sdelay $0x1  }
0x16b: {  	v5 =	vperm.xlane v4, v0;
	_ =	sdelay $0x1  }
0x16c: {  	v4 =	vadd.f32 v4, v5;
	_ =	sdelay $0x1  }
0x16d: {  	v5 =	vperm.xlane v4, v1;
	_ =	sdelay $0x1  }
0x16e: {  	v4 =	vadd.f32 v4, v5;
	_ =	sdelay $0x1  }
0x16f: {  	v5 =	vperm.xlane v4, v2;
	_ =	sdelay $0x1  }
0x170: {  	v4 =	vadd.f32 v4, v5;
	_ =	sdelay $0x1  }
.Ltmp0:
0x171: {  	v5 =	vperm.xlane v4, v3;
	(pc) =	sbr.rel @p0 .LBB2_1-.Ltmp0, $3  }
0x172: {  	_ = 	snop  }
0x173: {  	v4 =	vadd.f32 v4, v5;
	_ =	sdelay $0x1  }
0x174: {  	(erf) = vrcp.f32 v4  }
0x175: {  	_ =	sdelay $0x7  }
0x176: {  	v0 =	vpop (erf)  }
0x177: {  	s4 =	simm.s32 $0xFFFFFFFC;
	s5 =	simm.s32 $0x2020;
	s6 =	simm.s32 $0x200;
	[tilespmem:s7+$0x0] =	vst v0  }
.LBB2_3:
0x178: {  	v0 =	vld [tilespmem:s5+$0xFFFFFFE0]  }
0x179: {  	v1 =	vld [tilespmem:s6+$0xFFFFFE00];
	_ =	sdelay $0x1  }
0x17a: {  	v61 =	vld [tilespmem:s6+$0xFFFFFE10];
	_ =	sdelay $0x1  }
0x17b: {  	v62 =	vld [tilespmem:s6+$0xFFFFFE20]  }
0x17c: {  	v1 =	vmul.f32 v1, v0  }
0x17d: {  	v63 =	vld [tilespmem:s6+$0xFFFFFE30]  }
0x17e: {  	[tilespmem:s6+$0xFFFFFE00] =	vst v1;
	v1 =	vmul.f32 v61, v0  }
0x17f: {  	v4 =	vld [tilespmem:s6+$0xFFFFFE40]  }
0x180: {  	[tilespmem:s6+$0xFFFFFE10] =	vst v1;
	v1 =	vmul.f32 v62, v0  }
0x181: {  	v5 =	vld [tilespmem:s6+$0xFFFFFE50]  }
0x182: {  	[tilespmem:s6+$0xFFFFFE20] =	vst v1;
	v1 =	vmul.f32 v63, v0  }
0x183: {  	v6 =	vld [tilespmem:s6+$0xFFFFFE60]  }
0x184: {  	[tilespmem:s6+$0xFFFFFE30] =	vst v1;
	v1 =	vmul.f32 v4, v0  }
0x185: {  	v7 =	vld [tilespmem:s6+$0xFFFFFE70]  }
0x186: {  	[tilespmem:s6+$0xFFFFFE40] =	vst v1;
	v1 =	vmul.f32 v5, v0  }
0x187: {  	v8 =	vld [tilespmem:s6+$0xFFFFFE80]  }
0x188: {  	[tilespmem:s6+$0xFFFFFE50] =	vst v1;
	v1 =	vmul.f32 v6, v0  }
0x189: {  	v9 =	vld [tilespmem:s6+$0xFFFFFE90]  }
0x18a: {  	[tilespmem:s6+$0xFFFFFE60] =	vst v1;
	v1 =	vmul.f32 v7, v0  }
0x18b: {  	v10 =	vld [tilespmem:s6+$0xFFFFFEA0]  }
0x18c: {  	[tilespmem:s6+$0xFFFFFE70] =	vst v1;
	v1 =	vmul.f32 v8, v0  }
0x18d: {  	v11 =	vld [tilespmem:s6+$0xFFFFFEB0]  }
0x18e: {  	[tilespmem:s6+$0xFFFFFE80] =	vst v1;
	v1 =	vmul.f32 v9, v0  }
0x18f: {  	v12 =	vld [tilespmem:s6+$0xFFFFFEC0]  }
0x190: {  	[tilespmem:s6+$0xFFFFFE90] =	vst v1;
	v1 =	vmul.f32 v10, v0  }
0x191: {  	v13 =	vld [tilespmem:s6+$0xFFFFFED0]  }
0x192: {  	[tilespmem:s6+$0xFFFFFEA0] =	vst v1;
	v1 =	vmul.f32 v11, v0  }
0x193: {  	v14 =	vld [tilespmem:s6+$0xFFFFFEE0]  }
0x194: {  	v15 =	vld [tilespmem:s6+$0xFFFFFEF0];
	[tilespmem:s6+$0xFFFFFEB0] =	vst v1;
	v1 =	vmul.f32 v12, v0;
	_ =	sdelay $0x1  }
0x195: {  	[tilespmem:s6+$0xFFFFFEC0] =	vst v1;
	v1 =	vmul.f32 v13, v0;
	_ =	sdelay $0x1  }
0x196: {  	[tilespmem:s6+$0xFFFFFED0] =	vst v1;
	v1 =	vmul.f32 v14, v0  }
0x197: {  	v0 =	vmul.f32 v15, v0  }
0x198: {  	[tilespmem:s6+$0xFFFFFEE0] =	vst v1  }
0x199: {  	v16 =	vld [tilespmem:s6+$0xFFFFFF00];
	[tilespmem:s6+$0xFFFFFEF0] =	vst v0  }
0x19a: {  	v0 =	vld [tilespmem:s5+$0xFFFFFFF0];
	_ =	sdelay $0x1  }
0x19b: {  	v17 =	vld [tilespmem:s6+$0xFFFFFF10];
	_ =	sdelay $0x1  }
0x19c: {  	v18 =	vld [tilespmem:s6+$0xFFFFFF20]  }
0x19d: {  	v1 =	vmul.f32 v16, v0  }
0x19e: {  	v19 =	vld [tilespmem:s6+$0xFFFFFF30]  }
0x19f: {  	[tilespmem:s6+$0xFFFFFF00] =	vst v1;
	v1 =	vmul.f32 v17, v0  }
0x1a0: {  	v20 =	vld [tilespmem:s6+$0xFFFFFF40]  }
0x1a1: {  	[tilespmem:s6+$0xFFFFFF10] =	vst v1;
	v1 =	vmul.f32 v18, v0  }
0x1a2: {  	v21 =	vld [tilespmem:s6+$0xFFFFFF50]  }
0x1a3: {  	[tilespmem:s6+$0xFFFFFF20] =	vst v1;
	v1 =	vmul.f32 v19, v0  }
0x1a4: {  	v22 =	vld [tilespmem:s6+$0xFFFFFF60]  }
0x1a5: {  	[tilespmem:s6+$0xFFFFFF30] =	vst v1;
	v1 =	vmul.f32 v20, v0  }
0x1a6: {  	v23 =	vld [tilespmem:s6+$0xFFFFFF70]  }
0x1a7: {  	[tilespmem:s6+$0xFFFFFF40] =	vst v1;
	v1 =	vmul.f32 v21, v0  }
0x1a8: {  	v24 =	vld [tilespmem:s6+$0xFFFFFF80]  }
0x1a9: {  	[tilespmem:s6+$0xFFFFFF50] =	vst v1;
	v1 =	vmul.f32 v22, v0  }
0x1aa: {  	v25 =	vld [tilespmem:s6+$0xFFFFFF90]  }
0x1ab: {  	[tilespmem:s6+$0xFFFFFF60] =	vst v1;
	v1 =	vmul.f32 v23, v0  }
0x1ac: {  	v26 =	vld [tilespmem:s6+$0xFFFFFFA0]  }
0x1ad: {  	[tilespmem:s6+$0xFFFFFF70] =	vst v1;
	v1 =	vmul.f32 v24, v0  }
0x1ae: {  	v27 =	vld [tilespmem:s6+$0xFFFFFFB0]  }
0x1af: {  	[tilespmem:s6+$0xFFFFFF80] =	vst v1;
	v1 =	vmul.f32 v25, v0  }
0x1b0: {  	v28 =	vld [tilespmem:s6+$0xFFFFFFC0]  }
0x1b1: {  	[tilespmem:s6+$0xFFFFFF90] =	vst v1;
	v1 =	vmul.f32 v26, v0  }
0x1b2: {  	v29 =	vld [tilespmem:s6+$0xFFFFFFD0]  }
0x1b3: {  	[tilespmem:s6+$0xFFFFFFA0] =	vst v1;
	v1 =	vmul.f32 v27, v0  }
0x1b4: {  	v30 =	vld [tilespmem:s6+$0xFFFFFFE0]  }
0x1b5: {  	v31 =	vld [tilespmem:s6+$0xFFFFFFF0];
	[tilespmem:s6+$0xFFFFFFB0] =	vst v1;
	v1 =	vmul.f32 v28, v0;
	_ =	sdelay $0x1  }
0x1b6: {  	[tilespmem:s6+$0xFFFFFFC0] =	vst v1;
	v1 =	vmul.f32 v29, v0;
	_ =	sdelay $0x1  }
0x1b7: {  	[tilespmem:s6+$0xFFFFFFD0] =	vst v1;
	v1 =	vmul.f32 v30, v0  }
0x1b8: {  	v0 =	vmul.f32 v31, v0  }
0x1b9: {  	[tilespmem:s6+$0xFFFFFFE0] =	vst v1  }
0x1ba: {  	v32 =	vld [tilespmem:s6+$0x0];
	[tilespmem:s6+$0xFFFFFFF0] =	vst v0  }
0x1bb: {  	v0 =	vld [tilespmem:s5+$0x0];
	_ =	sdelay $0x1  }
0x1bc: {  	v33 =	vld [tilespmem:s6+$0x10];
	_ =	sdelay $0x1  }
0x1bd: {  	v34 =	vld [tilespmem:s6+$0x20]  }
0x1be: {  	v1 =	vmul.f32 v32, v0  }
0x1bf: {  	v35 =	vld [tilespmem:s6+$0x30]  }
0x1c0: {  	[tilespmem:s6+$0x0] =	vst v1;
	v1 =	vmul.f32 v33, v0  }
0x1c1: {  	v36 =	vld [tilespmem:s6+$0x40]  }
0x1c2: {  	[tilespmem:s6+$0x10] =	vst v1;
	v1 =	vmul.f32 v34, v0  }
0x1c3: {  	v37 =	vld [tilespmem:s6+$0x50]  }
0x1c4: {  	[tilespmem:s6+$0x20] =	vst v1;
	v1 =	vmul.f32 v35, v0  }
0x1c5: {  	v38 =	vld [tilespmem:s6+$0x60]  }
0x1c6: {  	[tilespmem:s6+$0x30] =	vst v1;
	v1 =	vmul.f32 v36, v0  }
0x1c7: {  	v39 =	vld [tilespmem:s6+$0x70]  }
0x1c8: {  	[tilespmem:s6+$0x40] =	vst v1;
	v1 =	vmul.f32 v37, v0  }
0x1c9: {  	v40 =	vld [tilespmem:s6+$0x80]  }
0x1ca: {  	[tilespmem:s6+$0x50] =	vst v1;
	v1 =	vmul.f32 v38, v0  }
0x1cb: {  	v41 =	vld [tilespmem:s6+$0x90]  }
0x1cc: {  	[tilespmem:s6+$0x60] =	vst v1;
	v1 =	vmul.f32 v39, v0  }
0x1cd: {  	v42 =	vld [tilespmem:s6+$0xA0]  }
0x1ce: {  	[tilespmem:s6+$0x70] =	vst v1;
	v1 =	vmul.f32 v40, v0  }
0x1cf: {  	v43 =	vld [tilespmem:s6+$0xB0]  }
0x1d0: {  	[tilespmem:s6+$0x80] =	vst v1;
	v1 =	vmul.f32 v41, v0  }
0x1d1: {  	v44 =	vld [tilespmem:s6+$0xC0]  }
0x1d2: {  	[tilespmem:s6+$0x90] =	vst v1;
	v1 =	vmul.f32 v42, v0  }
0x1d3: {  	v45 =	vld [tilespmem:s6+$0xD0]  }
0x1d4: {  	[tilespmem:s6+$0xA0] =	vst v1;
	v1 =	vmul.f32 v43, v0  }
0x1d5: {  	v46 =	vld [tilespmem:s6+$0xE0]  }
0x1d6: {  	v47 =	vld [tilespmem:s6+$0xF0];
	[tilespmem:s6+$0xB0] =	vst v1;
	v1 =	vmul.f32 v44, v0;
	_ =	sdelay $0x1  }
0x1d7: {  	[tilespmem:s6+$0xC0] =	vst v1;
	v1 =	vmul.f32 v45, v0;
	_ =	sdelay $0x1  }
0x1d8: {  	[tilespmem:s6+$0xD0] =	vst v1;
	v1 =	vmul.f32 v46, v0  }
0x1d9: {  	v0 =	vmul.f32 v47, v0  }
0x1da: {  	[tilespmem:s6+$0xE0] =	vst v1  }
0x1db: {  	v48 =	vld [tilespmem:s6+$0x100];
	[tilespmem:s6+$0xF0] =	vst v0  }
0x1dc: {  	v0 =	vld [tilespmem:s5+$0x10];
	_ =	sdelay $0x1  }
0x1dd: {  	v49 =	vld [tilespmem:s6+$0x110];
	_ =	sdelay $0x1  }
0x1de: {  	v50 =	vld [tilespmem:s6+$0x120]  }
0x1df: {  	v1 =	vmul.f32 v48, v0  }
0x1e0: {  	v51 =	vld [tilespmem:s6+$0x130]  }
0x1e1: {  	[tilespmem:s6+$0x100] =	vst v1;
	v1 =	vmul.f32 v49, v0  }
0x1e2: {  	v52 =	vld [tilespmem:s6+$0x140]  }
0x1e3: {  	[tilespmem:s6+$0x110] =	vst v1;
	v1 =	vmul.f32 v50, v0  }
0x1e4: {  	v53 =	vld [tilespmem:s6+$0x150]  }
0x1e5: {  	[tilespmem:s6+$0x120] =	vst v1;
	v1 =	vmul.f32 v51, v0  }
0x1e6: {  	v54 =	vld [tilespmem:s6+$0x160]  }
0x1e7: {  	[tilespmem:s6+$0x130] =	vst v1;
	v1 =	vmul.f32 v52, v0  }
0x1e8: {  	v55 =	vld [tilespmem:s6+$0x170]  }
0x1e9: {  	[tilespmem:s6+$0x140] =	vst v1;
	v1 =	vmul.f32 v53, v0  }
0x1ea: {  	v56 =	vld [tilespmem:s6+$0x180]  }
0x1eb: {  	[tilespmem:s6+$0x150] =	vst v1;
	v1 =	vmul.f32 v54, v0  }
0x1ec: {  	v57 =	vld [tilespmem:s6+$0x190]  }
0x1ed: {  	[tilespmem:s6+$0x160] =	vst v1;
	v1 =	vmul.f32 v55, v0  }
0x1ee: {  	v58 =	vld [tilespmem:s6+$0x1A0]  }
0x1ef: {  	[tilespmem:s6+$0x170] =	vst v1;
	v1 =	vmul.f32 v56, v0  }
0x1f0: {  	v59 =	vld [tilespmem:s6+$0x1B0]  }
0x1f1: {  	[tilespmem:s6+$0x180] =	vst v1;
	v1 =	vmul.f32 v57, v0  }
0x1f2: {  	v60 =	vld [tilespmem:s6+$0x1C0]  }
0x1f3: {  	[tilespmem:s6+$0x190] =	vst v1;
	v1 =	vmul.f32 v58, v0  }
0x1f4: {  	v61 =	vld [tilespmem:s6+$0x1D0]  }
0x1f5: {  	[tilespmem:s6+$0x1A0] =	vst v1;
	v1 =	vmul.f32 v59, v0  }
0x1f6: {  	v62 =	vld [tilespmem:s6+$0x1E0]  }
0x1f7: {  	v63 =	vld [tilespmem:s6+$0x1F0];
	[tilespmem:s6+$0x1B0] =	vst v1;
	v1 =	vmul.f32 v60, v0  }
0x1f8: {  	s4 =	sadd.s32 $0x4, s4  }
0x1f9: {  	p0 =	slt.u32 s4, $0x1C;
	[tilespmem:s6+$0x1C0] =	vst v1;
	v1 =	vmul.f32 v61, v0  }
.Ltmp1:
0x1fa: {  	_ = 	snop;
	(pc) =	sbr.rel @p0 .LBB2_3-.Ltmp1, $4  }
0x1fb: {  	[tilespmem:s6+$0x1D0] =	vst v1;
	v1 =	vmul.f32 v62, v0  }
0x1fc: {  	v0 =	vmul.f32 v63, v0  }
0x1fd: {  	[tilespmem:s6+$0x1E0] =	vst v1  }
0x1fe: {  	s5 =	sadd.s32 $0x40, s5;
	[tilespmem:s6+$0x1F0] =	vst v0;
	s6 =	sadd.s32 $0x400, s6  }
0x1ff: {  	s2 =	sadd.s32 s2, s3;
	s30 =	simm.s32 $0x0;
	s31 =	simm.s32 $0x1  }
0x200: {  	[hbm4b:s2+s30] =	stream.linear.scatter [tilespmem:s30], [sflag:$0x1], $0x2000, $0x38;
	[tilespmem:$0x2200] =	vst v63  }
0x201: {  	_ =	swait.ge [sflag:s31], $0x2000  }
0x202: {  	[sflag:s31] =	ssyncset.done $0x0  }
0x203: {  	[sflag:s31] =	ssyncadd.s32 $0xFFFFE000  }
0x204: {  	_ =	sfence.sel $0x180000  }
0x205: {  	[bflag:$0x0] =	sbarrier.arrive $0xFFFF  }
0x206: {  	p0 =	sne.s32 s1, $0x0;
	_ =	strace $0x90000047  }
0x207: {  	s0 =	sadd.s32 @!p0 $0x100000, s0;
	[bflag:$0x2] =	sbarrier.arrive $0xFFFF  }
0x208: {  	[sflag:s0] =	ssyncadd.tile.s32 @!p0 $0x1;
	_ =	shalt  }
.Lfunc_end2:
_tile_overlayer_lowered:
.L_overlay_start_2:
0x209: {  	(tag) =	ssettag $0x2  }
0x20a: {  	s0 =	rddreg [dreg:$0x0];
	s2 =	stileid.u32  }
0x20b: {  	s1 =	rddreg [dreg:$0x1];
	p0 =	sne.s32 s2, $0x0  }
0x20c: {  	s3 =	rddreg [dreg:$0x2];
	[bflag:$0x3] =	sbarrier.arrive $0xFFFF;
	s2 =	simm.s32 @!p0 $0x1C01  }
0x20d: {  	[timem:s3], [sflag:s2] =	dma.local @!p0 [hbm:s0], s1  }
0x20e: {  	s0 =	simm.s32 @!p0 $0x1  }
0x20f: {  	_ =	swait.ge @!p0 [sflag:s0], s1  }
0x210: {  	s1 =	ssub.s32 @!p0 $0x0, s1;
	[sflag:s0] =	ssyncset.done @!p0 $0x0  }
0x211: {  	[sflag:s0] =	ssyncadd.s32 @!p0 s1  }
0x212: {  	[bflag:$0x3] =	sbarrier.arrive $0xFFFF  }
0x213: {  	_ =	shalt  }

</sc_bundles>
